<compile_context>
chip_gen: v7x
topology: tpu7x:2x2x1
jax: 0.10.2.dev20260603
libtpu: 0.0.44.dev20260713+nightly
codegen_flags: <defaults>
</compile_context>

<pallas_src>
import functools

import jax
import jax.numpy as jnp
from jax import lax
from jax.experimental import pallas as pl
from jax.experimental.pallas import tpu as pltpu
from jax.experimental.pallas import tpu_sc as plsc


def _mm(a, b):
    return jax.lax.dot_general(
        a.astype(jnp.bfloat16), b.astype(jnp.bfloat16),
        (((1,), (0,)), ((), ())),
        preferred_element_type=jnp.float32)


def _mmT(a, b):
    return jax.lax.dot_general(
        a.astype(jnp.bfloat16), b.astype(jnp.bfloat16),
        (((0,), (0,)), ((), ())),
        preferred_element_type=jnp.float32)


def _shr(a):
    return jnp.concatenate([jnp.zeros_like(a[:, :1]), a[:, :-1]], axis=1)


def _shl(a):
    return jnp.concatenate([a[:, 1:], jnp.zeros_like(a[:, :1])], axis=1)


def _shd(a):
    return jnp.concatenate([jnp.zeros_like(a[:1, :]), a[:-1, :]], axis=0)


def _shu(a):
    return jnp.concatenate([a[1:, :], jnp.zeros_like(a[:1, :])], axis=0)


def _enc_kernel(xv_ref, w0m_ref, wbig_ref, wez_ref, bias_ref, cb_ref,
                ze_ref, idx_ref, cbn_ref):
    f32 = jnp.float32
    L = 1024
    relu = lambda v: jnp.maximum(v, 0.0)
    W = lambda i, j: wbig_ref[i, j]
    bias = lambda i: bias_ref[256 * i:256 * (i + 1)]
    bz = bias_ref[1792:1920]

    xv = xv_ref[0]
    segs = []
    for p in range(4):
        lo, hi = 2 * p - 1, 2 * p + 3
        if lo < 0:
            seg = jnp.concatenate([_shd(xv[:, 7:8]), xv[:, 0:hi]], axis=1)
        elif hi > 8:
            seg = jnp.concatenate([xv[:, lo:8], _shu(xv[:, 0:1])], axis=1)
        else:
            seg = xv[:, lo:hi]
        segs.append(seg)
    xpm = jnp.concatenate(segs, axis=0)
    h0all = relu(jax.lax.dot_general(
        w0m_ref[...].astype(jnp.bfloat16), xpm.astype(jnp.bfloat16),
        (((1,), (1,)), ((), ())),
        preferred_element_type=f32) + bias(0))
    U = [h0all[:, p * L:(p + 1) * L] for p in range(4)]

    eIdx, oIdx = (1, 2, 3, 0), (3, 0, 1, 2)
    E = jnp.zeros((256, L), f32)
    O = jnp.zeros((256, L), f32)
    for p in range(4):
        ec = _mm(W(0, eIdx[p]), U[p])
        oc = _mm(W(0, oIdx[p]), U[p])
        E = E + (_shr(ec) if p == 3 else ec)
        O = O + (_shl(oc) if p == 0 else oc)
    E = relu(E + bias(1))
    O = relu(O + bias(1))

    h2 = relu(_mm(W(1, 1), E) + _shl(_mm(W(1, 3), E))
              + _shr(_mm(W(1, 0), O)) + _mm(W(1, 2), O) + bias(2))

    ze = (_shr(_mm(wez_ref[0], h2)) + _mm(wez_ref[1], h2)
          + _shl(_mm(wez_ref[2], h2)) + bz)
    ze_ref[0] = ze

    cb = cb_ref[...]
    cbn = cb / (jnp.sqrt(jnp.sum(cb * cb, axis=1, keepdims=True)) + 1e-8)
    cbn_ref[...] = cbn
    zn = ze / (jnp.sqrt(jnp.sum(ze * ze, axis=0, keepdims=True)) + 1e-8)
    S = _mm(cbn, zn)
    m = jnp.max(S, axis=0, keepdims=True)
    kio = jax.lax.broadcasted_iota(jnp.int32, S.shape, 0)
    idx = jnp.min(jnp.where(S >= m, kio, S.shape[0]), axis=0, keepdims=True)
    idx_ref[0] = idx


def _dec_kernel(zr_ref, wbig_ref, wdz_ref, wout_ref, bias_ref,
                y8_ref, zq_ref):
    f32 = jnp.float32
    L = 1024
    relu = lambda v: jnp.maximum(v, 0.0)
    W = lambda i, j: wbig_ref[i, j]
    bias = lambda i: bias_ref[256 * i:256 * (i + 1)]
    bout = bias_ref[1920:1928][:1]

    zq = jnp.transpose(zr_ref[...], (1, 0))
    zq_ref[0] = zq

    g0 = relu(_shr(_mm(wdz_ref[0], zq)) + _mm(wdz_ref[1], zq)
              + _shl(_mm(wdz_ref[2], zq)) + bias(3))

    e1 = relu(_shr(_mmT(W(2, 0), g0)) + _mmT(W(2, 2), g0) + bias(4))
    o1 = relu(_mmT(W(2, 1), g0) + _shl(_mmT(W(2, 3), g0)) + bias(4))

    Re = [_mmT(W(3, j), e1) for j in range(4)]
    Ro = [_mmT(W(3, j), o1) for j in range(4)]
    P = [relu(_shr(Ro[0]) + Re[2] + bias(5)),
         relu(Re[1] + Ro[3] + bias(5)),
         relu(Re[0] + Ro[2] + bias(5)),
         relu(Ro[1] + _shl(Re[3]) + bias(5))]

    Rp = [[_mmT(W(4, j), P[p]) for j in range(4)] for p in range(4)]
    Q = []
    for p in range(4):
        t0 = _shr(Rp[3][0]) if p == 0 else Rp[p - 1][0]
        Q.append(relu(t0 + Rp[p][2] + bias(6)))
        t3 = _shl(Rp[0][3]) if p == 3 else Rp[p + 1][3]
        Q.append(relu(Rp[p][1] + t3 + bias(6)))

    G = jnp.concatenate(Q, axis=1)
    Ro8 = jax.lax.dot_general(
        wout_ref[...].astype(jnp.bfloat16), G.astype(jnp.bfloat16),
        (((0,), (0,)), ((), ())),
        preferred_element_type=f32)
    r0 = [Ro8[0:1, q * L:(q + 1) * L] for q in range(8)]
    r1 = [Ro8[1:2, q * L:(q + 1) * L] for q in range(8)]
    r2 = [Ro8[2:3, q * L:(q + 1) * L] for q in range(8)]
    ys = []
    for q in range(8):
        a = _shr(r0[7]) if q == 0 else r0[q - 1]
        c = _shl(r2[0]) if q == 7 else r2[q + 1]
        ys.append(a + r1[q] + c)
    y8_ref[0] = jnp.concatenate(ys, axis=0) + bout


def _sc_gather(cbn, idx_flat):
    n_rows = idx_flat.shape[0]
    n_w = 32
    b_per_w = n_rows // n_w
    mesh = plsc.VectorSubcoreMesh(core_axis_name="c", subcore_axis_name="s")

    @functools.partial(
        pl.kernel, mesh=mesh,
        out_type=jax.ShapeDtypeStruct((n_rows, 128), jnp.float32),
        scratch_types=[
            pltpu.VMEM((b_per_w,), jnp.int32),
            pltpu.VMEM((b_per_w, 128), jnp.float32),
            pltpu.SemaphoreType.DMA,
        ],
    )
    def k(table_hbm, idx_hbm, out_hbm, idx_v, rows_v, sem):
        wid = lax.axis_index("s") * 2 + lax.axis_index("c")
        base = wid * b_per_w
        pltpu.sync_copy(idx_hbm.at[pl.ds(base, b_per_w)], idx_v)
        pltpu.async_copy(table_hbm.at[idx_v], rows_v, sem).wait()
        pltpu.sync_copy(rows_v, out_hbm.at[pl.ds(base, b_per_w)])

    return k(cbn, idx_flat)


def kernel(x, enc_w0, enc_b0, enc_w1, enc_b1, enc_w2, enc_b2, enc_wz, enc_bz,
           codebook, dec_wz, dec_bz, dec_w0, dec_b0, dec_w1, dec_b1,
           dec_w2, dec_b2, dec_wout, dec_bout):
    B = x.shape[0]
    L = 1024
    f32 = jnp.float32

    xv = x.reshape(B, L, 8)
    w0m = enc_w0.reshape(256, 4)
    wbig = jnp.stack([enc_w1, enc_w2, dec_w0, dec_w1, dec_w2]) \
        .transpose(0, 3, 1, 2)
    wez = enc_wz.transpose(2, 0, 1)
    wdz = dec_wz.transpose(2, 0, 1)
    wout = dec_wout.reshape(256, 3)
    bias = jnp.concatenate(
        [enc_b0, enc_b1, enc_b2, dec_bz, dec_b0, dec_b1, dec_b2,
         enc_bz, dec_bout, jnp.zeros((7,), f32)]).reshape(1928, 1)

    full = lambda a: pl.BlockSpec(a.shape, lambda b: (0,) * a.ndim)
    enc_ins = [xv, w0m, wbig, wez, bias, codebook]
    ze, idx, cbn = pl.pallas_call(
        _enc_kernel,
        grid=(B,),
        in_specs=[pl.BlockSpec((1, L, 8), lambda b: (b, 0, 0))] +
                 [full(a) for a in enc_ins[1:]],
        out_specs=[
            pl.BlockSpec((1, 128, L), lambda b: (b, 0, 0)),
            pl.BlockSpec((1, 1, L), lambda b: (b, 0, 0)),
            pl.BlockSpec((1024, 128), lambda b: (0, 0)),
        ],
        out_shape=[
            jax.ShapeDtypeStruct((B, 128, L), f32),
            jax.ShapeDtypeStruct((B, 1, L), jnp.int32),
            jax.ShapeDtypeStruct((1024, 128), f32),
        ],
    )(*enc_ins)

    zq_rows = _sc_gather(cbn, idx.reshape(B * L))

    dec_ins = [zq_rows, wbig, wdz, wout, bias]
    y8, zq = pl.pallas_call(
        _dec_kernel,
        grid=(B,),
        in_specs=[pl.BlockSpec((L, 128), lambda b: (b, 0))] +
                 [full(a) for a in dec_ins[1:]],
        out_specs=[
            pl.BlockSpec((1, 8, L), lambda b: (b, 0, 0)),
            pl.BlockSpec((1, 128, L), lambda b: (b, 0, 0)),
        ],
        out_shape=[
            jax.ShapeDtypeStruct((B, 8, L), f32),
            jax.ShapeDtypeStruct((B, 128, L), f32),
        ],
    )(*dec_ins)

    x_hat = y8.transpose(0, 2, 1).reshape(B, 1, 8192)
    return (x_hat, ze, zq)

# --- scband reference (transcript-rebuilt; emitter-appended) ---
"""Pipeline reference for scband-vqvae-19275813225079 (READ-ONLY COPY).

The authoritative reference and input builder live on the scoring server;
editing this copy changes nothing except your own understanding.
"""

import jax, jax.numpy as jnp
import numpy as np


def conv1d(x, w, b, stride):
    y = jax.lax.conv_general_dilated(x, w, (stride,), 'SAME', dimension_numbers=('NCW', 'OIW', 'NCW'))
    return y + b[None, :, None]


def deconv1d(x, w, b, stride):
    y = jax.lax.conv_transpose(x, w, (stride,), 'SAME', dimension_numbers=('NCW', 'IOW', 'NCW'))
    return y + b[None, :, None]


def vector_quantize_cosine(z, codebook):
    # z: [B, L, D] (channels-last after transpose), codebook: [K, D]
    zn = z / (jnp.linalg.norm(z, axis=-1, keepdims=True) + 1e-8)
    cbn = codebook / (jnp.linalg.norm(codebook, axis=-1, keepdims=True) + 1e-8)
    sim = jnp.einsum('bld,kd->blk', zn, cbn)
    idx = jnp.argmax(sim, axis=-1)
    z_q = jnp.take(cbn, idx, axis=0)
    commit_loss = jnp.mean((jax.lax.stop_gradient(z_q) - zn) ** 2)
    return z_q, idx, commit_loss


def setup_inputs(seed: int = 0) -> dict:
    key = jax.random.key(seed)
    ks = jax.random.split(key, 20)
    h, d, K = 256, 128, 1024
    s = 0.05
    inp = {}
    inp['x'] = jax.random.normal(ks[0], (4, 1, 8192), dtype=jnp.float32)
    inp['enc_w0'] = jax.random.normal(ks[1], (h, 1, 4), dtype=jnp.float32) * s
    inp['enc_b0'] = jnp.zeros((h,), dtype=jnp.float32)
    inp['enc_w1'] = jax.random.normal(ks[2], (h, h, 4), dtype=jnp.float32) * s
    inp['enc_b1'] = jnp.zeros((h,), dtype=jnp.float32)
    inp['enc_w2'] = jax.random.normal(ks[3], (h, h, 4), dtype=jnp.float32) * s
    inp['enc_b2'] = jnp.zeros((h,), dtype=jnp.float32)
    inp['enc_wz'] = jax.random.normal(ks[4], (d, h, 3), dtype=jnp.float32) * s
    inp['enc_bz'] = jnp.zeros((d,), dtype=jnp.float32)
    inp['codebook'] = jax.random.normal(ks[5], (K, d), dtype=jnp.float32)
    inp['dec_wz'] = jax.random.normal(ks[6], (h, d, 3), dtype=jnp.float32) * s
    inp['dec_bz'] = jnp.zeros((h,), dtype=jnp.float32)
    inp['dec_w0'] = jax.random.normal(ks[7], (h, h, 4), dtype=jnp.float32) * s
    inp['dec_b0'] = jnp.zeros((h,), dtype=jnp.float32)
    inp['dec_w1'] = jax.random.normal(ks[8], (h, h, 4), dtype=jnp.float32) * s
    inp['dec_b1'] = jnp.zeros((h,), dtype=jnp.float32)
    inp['dec_w2'] = jax.random.normal(ks[9], (h, h, 4), dtype=jnp.float32) * s
    inp['dec_b2'] = jnp.zeros((h,), dtype=jnp.float32)
    inp['dec_wout'] = jax.random.normal(ks[10], (1, h, 3), dtype=jnp.float32) * s
    inp['dec_bout'] = jnp.zeros((1,), dtype=jnp.float32)
    return inp


def reference(x, enc_w0, enc_b0, enc_w1, enc_b1, enc_w2, enc_b2, enc_wz, enc_bz,
              codebook, dec_wz, dec_bz, dec_w0, dec_b0, dec_w1, dec_b1,
              dec_w2, dec_b2, dec_wout, dec_bout):
    # Encoder: 3x strided conv (downsample 8x) + projection to latent_dim
    h0 = jax.nn.relu(conv1d(x, enc_w0, enc_b0, 2))
    h1 = jax.nn.relu(conv1d(h0, enc_w1, enc_b1, 2))
    h2 = jax.nn.relu(conv1d(h1, enc_w2, enc_b2, 2))
    z_e = conv1d(h2, enc_wz, enc_bz, 1)  # [B, d, L]
    # VectorQuantize (cosine sim): operate channels-last via transpose(1,2)
    z_q_cl, _, _ = vector_quantize_cosine(jnp.transpose(z_e, (0, 2, 1)), codebook)
    z_q = jnp.transpose(z_q_cl, (0, 2, 1))  # [B, d, L]
    # Straight-through estimator
    z_q_st = z_e + jax.lax.stop_gradient(z_q - z_e)
    # Decoder: projection + 3x transposed conv (upsample 8x) + output conv
    g0 = jax.nn.relu(conv1d(z_q_st, dec_wz, dec_bz, 1))
    g1 = jax.nn.relu(deconv1d(g0, dec_w0, dec_b0, 2))
    g2 = jax.nn.relu(deconv1d(g1, dec_w1, dec_b1, 2))
    g3 = jax.nn.relu(deconv1d(g2, dec_w2, dec_b2, 2))
    x_hat = conv1d(g3, dec_wout, dec_bout, 1)
    return (x_hat, z_e, z_q)

if __name__ == "__main__":
    import jax
    _d = setup_inputs()
    print(jax.jit(kernel)(*tuple(_d.values())))

</pallas_src>

<mosaic_0001>
#map = affine_map<(d0, d1) -> (0, 0)>
#map1 = affine_map<(d0, d1) -> (0)>
module attributes {stable_mosaic.version = 14 : i64} {
  func.func @k(%arg0: i32, %arg1: i32, %arg2: memref<1024x128xf32, #tpu.memory_space<hbm>>, %arg3: memref<4096xi32, #tpu.memory_space<hbm>>, %arg4: memref<4096x128xf32, #tpu.memory_space<hbm>>, %arg5: memref<128xi32, #tpu.memory_space<vmem>>, %arg6: memref<128x128xf32, #tpu.memory_space<vmem>>, %arg7: memref<!tpu.dma_semaphore, #tpu.memory_space<semaphore_mem>>) attributes {dimension_semantics = [#tpu.dimension_semantics<core_parallel>, #tpu.dimension_semantics<subcore_parallel>], iteration_bounds = array<i64: 2, 16>, scalar_prefetch = 0 : i64, scratch_operands = 3 : i64, tpu.core_type = #tpu.core_type<sc_vector_subcore>, window_params = [{transform_indices = #map}, {transform_indices = #map1}, {transform_indices = #map}]} {
    %mul3A = arith.constant 2 : i32
    %mul3A_0 = arith.muli %arg1, %mul3A : i32
    %add3A = arith.addi %mul3A_0, %arg0 : i32
    %mul3A_1 = arith.constant 128 : i32
    %mul3A_2 = arith.muli %add3A, %mul3A_1 : i32
    "tpu.region"() ({
      %run_scoped3A = tpu.sem_alloc : memref<!tpu.dma_semaphore, #tpu.memory_space<semaphore_mem>>
      %dma_start3A_7 = tpu.memref_slice %arg3[%mul3A_2] : memref<4096xi32, #tpu.memory_space<hbm>> -> memref<128xi32, #tpu.memory_space<hbm>>
      %dma_start3A_8 = tpu.memref_slice %arg3[%mul3A_2] : memref<4096xi32, #tpu.memory_space<hbm>> -> memref<128xi32, #tpu.memory_space<hbm>>
      tpu.enqueue_dma source(%dma_start3A_8 : memref<128xi32, #tpu.memory_space<hbm>>) target(%arg5 : memref<128xi32, #tpu.memory_space<vmem>>) target_semaphore(%run_scoped3A : memref<!tpu.dma_semaphore, #tpu.memory_space<semaphore_mem>>)
      %dma_wait3A_9 = tpu.memref_slice %arg3[%mul3A_2] : memref<4096xi32, #tpu.memory_space<hbm>> -> memref<128xi32, #tpu.memory_space<hbm>>
      %dma_wait3A_10 = tpu.memref_slice %arg3[%mul3A_2] : memref<4096xi32, #tpu.memory_space<hbm>> -> memref<128xi32, #tpu.memory_space<hbm>>
      tpu.wait_dma2 semaphore(%run_scoped3A : memref<!tpu.dma_semaphore, #tpu.memory_space<semaphore_mem>>) src(%dma_wait3A_10 : memref<128xi32, #tpu.memory_space<hbm>>) dst(%arg5 : memref<128xi32, #tpu.memory_space<vmem>>)
      tpu.yield
    }) : () -> ()
    %dma_start3A = arith.constant 0 : i32
    %dma_start3A_3 = arith.constant 0 : i32
    %dma_start3A_4 = tpu.memref_slice %arg2[%dma_start3A, %dma_start3A_3] : memref<1024x128xf32, #tpu.memory_space<hbm>> -> memref<1024x128xf32, #tpu.memory_space<hbm>>
    tpu.enqueue_indirect_dma source(%dma_start3A_4 : memref<1024x128xf32, #tpu.memory_space<hbm>>) target(%arg6 : memref<128x128xf32, #tpu.memory_space<vmem>>) offsets(%arg5 : memref<128xi32, #tpu.memory_space<vmem>>) semaphore(%arg7 : memref<!tpu.dma_semaphore, #tpu.memory_space<semaphore_mem>>)
    %dma_wait3A = arith.constant 0 : i32
    %dma_wait3A_5 = arith.constant 0 : i32
    %dma_wait3A_6 = tpu.memref_slice %arg2[%dma_wait3A, %dma_wait3A_5] : memref<1024x128xf32, #tpu.memory_space<hbm>> -> memref<1024x128xf32, #tpu.memory_space<hbm>>
    tpu.wait_indirect_dma semaphore(%arg7 : memref<!tpu.dma_semaphore, #tpu.memory_space<semaphore_mem>>) src(%dma_wait3A_6 : memref<1024x128xf32, #tpu.memory_space<hbm>>) dst(%arg6 : memref<128x128xf32, #tpu.memory_space<vmem>>)
    "tpu.region"() ({
      %run_scoped3A = tpu.sem_alloc : memref<!tpu.dma_semaphore, #tpu.memory_space<semaphore_mem>>
      %dma_start3A_7 = arith.constant 0 : i32
      %dma_start3A_8 = tpu.memref_slice %arg4[%mul3A_2, %dma_start3A_7] : memref<4096x128xf32, #tpu.memory_space<hbm>> -> memref<128x128xf32, #tpu.memory_space<hbm>>
      %dma_start3A_9 = arith.constant 0 : i32
      %dma_start3A_10 = tpu.memref_slice %arg4[%mul3A_2, %dma_start3A_9] : memref<4096x128xf32, #tpu.memory_space<hbm>> -> memref<128x128xf32, #tpu.memory_space<hbm>>
      tpu.enqueue_dma source(%arg6 : memref<128x128xf32, #tpu.memory_space<vmem>>) target(%dma_start3A_10 : memref<128x128xf32, #tpu.memory_space<hbm>>) target_semaphore(%run_scoped3A : memref<!tpu.dma_semaphore, #tpu.memory_space<semaphore_mem>>)
      %dma_wait3A_11 = arith.constant 0 : i32
      %dma_wait3A_12 = tpu.memref_slice %arg4[%mul3A_2, %dma_wait3A_11] : memref<4096x128xf32, #tpu.memory_space<hbm>> -> memref<128x128xf32, #tpu.memory_space<hbm>>
      %dma_wait3A_13 = arith.constant 0 : i32
      %dma_wait3A_14 = tpu.memref_slice %arg4[%mul3A_2, %dma_wait3A_13] : memref<4096x128xf32, #tpu.memory_space<hbm>> -> memref<128x128xf32, #tpu.memory_space<hbm>>
      tpu.wait_dma2 semaphore(%run_scoped3A : memref<!tpu.dma_semaphore, #tpu.memory_space<semaphore_mem>>) src(%arg6 : memref<128x128xf32, #tpu.memory_space<vmem>>) dst(%dma_wait3A_14 : memref<128x128xf32, #tpu.memory_space<hbm>>)
      tpu.yield
    }) : () -> ()
    return
  }
}

module attributes {stable_mosaic.version = 14 : i64} {
  func.func @_enc_kernel(%arg0: i32, %arg1: memref<1x1024x8xf32, #tpu.memory_space<vmem>>, %arg2: memref<256x4xf32, #tpu.memory_space<vmem>>, %arg3: memref<5x4x256x256xf32, #tpu.memory_space<vmem>>, %arg4: memref<3x128x256xf32, #tpu.memory_space<vmem>>, %arg5: memref<1928x1xf32, #tpu.memory_space<vmem>>, %arg6: memref<1024x128xf32, #tpu.memory_space<vmem>>, %arg7: memref<1x128x1024xf32, #tpu.memory_space<vmem>>, %arg8: memref<1x1x1024xi32, #tpu.memory_space<vmem>>, %arg9: memref<1024x128xf32, #tpu.memory_space<vmem>>) attributes {dimension_semantics = [#tpu.dimension_semantics<arbitrary>], iteration_bounds = array<i64: 4>, scalar_prefetch = 0 : i64, scratch_operands = 0 : i64, tpu.core_type = #tpu.core_type<tc>, window_params = [{transform_indices = @transform_0, window_bounds = array<i64: 1, 1024, 8>}, {pipeline_mode = #tpu.pipeline_mode<synchronous>, transform_indices = @transform_1, window_bounds = array<i64: 256, 4>}, {pipeline_mode = #tpu.pipeline_mode<synchronous>, transform_indices = @transform_2, window_bounds = array<i64: 5, 4, 256, 256>}, {pipeline_mode = #tpu.pipeline_mode<synchronous>, transform_indices = @transform_3, window_bounds = array<i64: 3, 128, 256>}, {pipeline_mode = #tpu.pipeline_mode<synchronous>, transform_indices = @transform_4, window_bounds = array<i64: 1928, 1>}, {pipeline_mode = #tpu.pipeline_mode<synchronous>, transform_indices = @transform_5, window_bounds = array<i64: 1024, 128>}, {transform_indices = @transform_6, window_bounds = array<i64: 1, 128, 1024>}, {transform_indices = @transform_7, window_bounds = array<i64: 1, 1, 1024>}, {pipeline_mode = #tpu.pipeline_mode<synchronous>, transform_indices = @transform_8, window_bounds = array<i64: 1024, 128>}]} {
    %get3A = arith.constant 1792 : index
    %get3A_0 = arith.constant 0 : index
    %get3A_1 = vector.load %arg5[%get3A, %get3A_0] : memref<1928x1xf32, #tpu.memory_space<vmem>>, vector<128x1xf32>
    %get3A_2 = arith.constant 0 : index
    %get3A_3 = arith.constant 0 : index
    %get3A_4 = arith.constant 0 : index
    %get3A_5 = vector.load %arg1[%get3A_2, %get3A_3, %get3A_4] : memref<1x1024x8xf32, #tpu.memory_space<vmem>>, vector<1x1024x8xf32>
    %get3A_6 = vector.shape_cast %get3A_5 : vector<1x1024x8xf32> to vector<1024x8xf32>
    %slice3A = vector.extract_strided_slice %get3A_6 {offsets = [0, 7], sizes = [1024, 1], strides = [1, 1]} : vector<1024x8xf32> to vector<1024x1xf32>
    %broadcast_in_dim3A = arith.constant 0.000000e+00 : f32
    %broadcast_in_dim3A_7 = vector.broadcast %broadcast_in_dim3A : f32 to vector<1x1xf32>
    %slice3A_8 = vector.extract_strided_slice %slice3A {offsets = [0, 0], sizes = [1023, 1], strides = [1, 1]} : vector<1024x1xf32> to vector<1023x1xf32>
    %concatenate3A = tpu.concatenate %broadcast_in_dim3A_7, %slice3A_8 in 0 : vector<1x1xf32>, vector<1023x1xf32> -> vector<1024x1xf32>
    %slice3A_9 = vector.extract_strided_slice %get3A_6 {offsets = [0, 0], sizes = [1024, 3], strides = [1, 1]} : vector<1024x8xf32> to vector<1024x3xf32>
    %concatenate3A_10 = tpu.concatenate %concatenate3A, %slice3A_9 in 1 : vector<1024x1xf32>, vector<1024x3xf32> -> vector<1024x4xf32>
    %slice3A_11 = vector.extract_strided_slice %get3A_6 {offsets = [0, 1], sizes = [1024, 4], strides = [1, 1]} : vector<1024x8xf32> to vector<1024x4xf32>
    %slice3A_12 = vector.extract_strided_slice %get3A_6 {offsets = [0, 3], sizes = [1024, 4], strides = [1, 1]} : vector<1024x8xf32> to vector<1024x4xf32>
    %slice3A_13 = vector.extract_strided_slice %get3A_6 {offsets = [0, 5], sizes = [1024, 3], strides = [1, 1]} : vector<1024x8xf32> to vector<1024x3xf32>
    %slice3A_14 = vector.extract_strided_slice %get3A_6 {offsets = [0, 0], sizes = [1024, 1], strides = [1, 1]} : vector<1024x8xf32> to vector<1024x1xf32>
    %slice3A_15 = vector.extract_strided_slice %slice3A_14 {offsets = [1, 0], sizes = [1023, 1], strides = [1, 1]} : vector<1024x1xf32> to vector<1023x1xf32>
    %broadcast_in_dim3A_16 = arith.constant 0.000000e+00 : f32
    %broadcast_in_dim3A_17 = vector.broadcast %broadcast_in_dim3A_16 : f32 to vector<1x1xf32>
    %concatenate3A_18 = tpu.concatenate %slice3A_15, %broadcast_in_dim3A_17 in 0 : vector<1023x1xf32>, vector<1x1xf32> -> vector<1024x1xf32>
    %concatenate3A_19 = tpu.concatenate %slice3A_13, %concatenate3A_18 in 1 : vector<1024x3xf32>, vector<1024x1xf32> -> vector<1024x4xf32>
    %concatenate3A_20 = tpu.concatenate %concatenate3A_10, %slice3A_11, %slice3A_12, %concatenate3A_19 in 0 : vector<1024x4xf32>, vector<1024x4xf32>, vector<1024x4xf32>, vector<1024x4xf32> -> vector<4096x4xf32>
    %get3A_21 = arith.constant 0 : index
    %get3A_22 = arith.constant 0 : index
    %get3A_23 = vector.load %arg2[%get3A_21, %get3A_22] : memref<256x4xf32, #tpu.memory_space<vmem>>, vector<256x4xf32>
    %convert_element_type3A = arith.truncf %get3A_23 : vector<256x4xf32> to vector<256x4xbf16>
    %convert_element_type3A_24 = arith.truncf %concatenate3A_20 : vector<4096x4xf32> to vector<4096x4xbf16>
    %dot_general3A = arith.constant dense<0.000000e+00> : vector<256x4096xf32>
    %dot_general3A_25 = tpu.matmul %convert_element_type3A, %convert_element_type3A_24, %dot_general3A {dimension_numbers = #tpu.dot_dimension_numbers<[1], [1], [0], [0], [0, 0, 1, 0], [], []>, transpose_lhs_hint = false} : vector<256x4xbf16>, vector<4096x4xbf16>, vector<256x4096xf32> -> vector<256x4096xf32>
    %get3A_26 = arith.constant 0 : index
    %get3A_27 = arith.constant 0 : index
    %get3A_28 = vector.load %arg5[%get3A_26, %get3A_27] : memref<1928x1xf32, #tpu.memory_space<vmem>>, vector<256x1xf32>
    %add3A = vector.broadcast %get3A_28 : vector<256x1xf32> to vector<256x4096xf32>
    %add3A_29 = arith.addf %dot_general3A_25, %add3A : vector<256x4096xf32>
    %max3A = arith.constant 0.000000e+00 : f32
    %max3A_30 = vector.broadcast %max3A : f32 to vector<256x4096xf32>
    %max3A_31 = arith.maximumf %add3A_29, %max3A_30 : vector<256x4096xf32>
    %slice3A_32 = vector.extract_strided_slice %max3A_31 {offsets = [0, 0], sizes = [256, 1024], strides = [1, 1]} : vector<256x4096xf32> to vector<256x1024xf32>
    %slice3A_33 = vector.extract_strided_slice %max3A_31 {offsets = [0, 1024], sizes = [256, 1024], strides = [1, 1]} : vector<256x4096xf32> to vector<256x1024xf32>
    %slice3A_34 = vector.extract_strided_slice %max3A_31 {offsets = [0, 2048], sizes = [256, 1024], strides = [1, 1]} : vector<256x4096xf32> to vector<256x1024xf32>
    %slice3A_35 = vector.extract_strided_slice %max3A_31 {offsets = [0, 3072], sizes = [256, 1024], strides = [1, 1]} : vector<256x4096xf32> to vector<256x1024xf32>
    %broadcast_in_dim3A_36 = arith.constant 0.000000e+00 : f32
    %broadcast_in_dim3A_37 = vector.broadcast %broadcast_in_dim3A_36 : f32 to vector<256x1024xf32>
    %broadcast_in_dim3A_38 = arith.constant 0.000000e+00 : f32
    %broadcast_in_dim3A_39 = vector.broadcast %broadcast_in_dim3A_38 : f32 to vector<256x1024xf32>
    %get3A_40 = arith.constant 0 : index
    %get3A_41 = arith.constant 1 : index
    %get3A_42 = arith.constant 0 : index
    %get3A_43 = arith.constant 0 : index
    %get3A_44 = vector.load %arg3[%get3A_40, %get3A_41, %get3A_42, %get3A_43] : memref<5x4x256x256xf32, #tpu.memory_space<vmem>>, vector<1x1x256x256xf32>
    %get3A_45 = vector.shape_cast %get3A_44 : vector<1x1x256x256xf32> to vector<256x256xf32>
    %convert_element_type3A_46 = arith.truncf %get3A_45 : vector<256x256xf32> to vector<256x256xbf16>
    %convert_element_type3A_47 = arith.truncf %slice3A_32 : vector<256x1024xf32> to vector<256x1024xbf16>
    %dot_general3A_48 = arith.constant dense<0.000000e+00> : vector<256x1024xf32>
    %dot_general3A_49 = tpu.matmul %convert_element_type3A_46, %convert_element_type3A_47, %dot_general3A_48 {dimension_numbers = #tpu.dot_dimension_numbers<[1], [0], [0], [1], [0, 0, 1, 1], [], []>, transpose_lhs_hint = false} : vector<256x256xbf16>, vector<256x1024xbf16>, vector<256x1024xf32> -> vector<256x1024xf32>
    %get3A_50 = arith.constant 0 : index
    %get3A_51 = arith.constant 3 : index
    %get3A_52 = arith.constant 0 : index
    %get3A_53 = arith.constant 0 : index
    %get3A_54 = vector.load %arg3[%get3A_50, %get3A_51, %get3A_52, %get3A_53] : memref<5x4x256x256xf32, #tpu.memory_space<vmem>>, vector<1x1x256x256xf32>
    %get3A_55 = vector.shape_cast %get3A_54 : vector<1x1x256x256xf32> to vector<256x256xf32>
    %convert_element_type3A_56 = arith.truncf %get3A_55 : vector<256x256xf32> to vector<256x256xbf16>
    %convert_element_type3A_57 = arith.truncf %slice3A_32 : vector<256x1024xf32> to vector<256x1024xbf16>
    %dot_general3A_58 = arith.constant dense<0.000000e+00> : vector<256x1024xf32>
    %dot_general3A_59 = tpu.matmul %convert_element_type3A_56, %convert_element_type3A_57, %dot_general3A_58 {dimension_numbers = #tpu.dot_dimension_numbers<[1], [0], [0], [1], [0, 0, 1, 1], [], []>, transpose_lhs_hint = false} : vector<256x256xbf16>, vector<256x1024xbf16>, vector<256x1024xf32> -> vector<256x1024xf32>
    %add3A_60 = arith.addf %broadcast_in_dim3A_37, %dot_general3A_49 : vector<256x1024xf32>
    %slice3A_61 = vector.extract_strided_slice %dot_general3A_59 {offsets = [0, 1], sizes = [256, 1023], strides = [1, 1]} : vector<256x1024xf32> to vector<256x1023xf32>
    %broadcast_in_dim3A_62 = arith.constant 0.000000e+00 : f32
    %broadcast_in_dim3A_63 = vector.broadcast %broadcast_in_dim3A_62 : f32 to vector<256x1xf32>
    %concatenate3A_64 = tpu.concatenate %slice3A_61, %broadcast_in_dim3A_63 in 1 : vector<256x1023xf32>, vector<256x1xf32> -> vector<256x1024xf32>
    %add3A_65 = arith.addf %broadcast_in_dim3A_39, %concatenate3A_64 : vector<256x1024xf32>
    %get3A_66 = arith.constant 0 : index
    %get3A_67 = arith.constant 2 : index
    %get3A_68 = arith.constant 0 : index
    %get3A_69 = arith.constant 0 : index
    %get3A_70 = vector.load %arg3[%get3A_66, %get3A_67, %get3A_68, %get3A_69] : memref<5x4x256x256xf32, #tpu.memory_space<vmem>>, vector<1x1x256x256xf32>
    %get3A_71 = vector.shape_cast %get3A_70 : vector<1x1x256x256xf32> to vector<256x256xf32>
    %convert_element_type3A_72 = arith.truncf %get3A_71 : vector<256x256xf32> to vector<256x256xbf16>
    %convert_element_type3A_73 = arith.truncf %slice3A_33 : vector<256x1024xf32> to vector<256x1024xbf16>
    %dot_general3A_74 = arith.constant dense<0.000000e+00> : vector<256x1024xf32>
    %dot_general3A_75 = tpu.matmul %convert_element_type3A_72, %convert_element_type3A_73, %dot_general3A_74 {dimension_numbers = #tpu.dot_dimension_numbers<[1], [0], [0], [1], [0, 0, 1, 1], [], []>, transpose_lhs_hint = false} : vector<256x256xbf16>, vector<256x1024xbf16>, vector<256x1024xf32> -> vector<256x1024xf32>
    %get3A_76 = arith.constant 0 : index
    %get3A_77 = arith.constant 0 : index
    %get3A_78 = arith.constant 0 : index
    %get3A_79 = arith.constant 0 : index
    %get3A_80 = vector.load %arg3[%get3A_76, %get3A_77, %get3A_78, %get3A_79] : memref<5x4x256x256xf32, #tpu.memory_space<vmem>>, vector<1x1x256x256xf32>
    %get3A_81 = vector.shape_cast %get3A_80 : vector<1x1x256x256xf32> to vector<256x256xf32>
    %convert_element_type3A_82 = arith.truncf %get3A_81 : vector<256x256xf32> to vector<256x256xbf16>
    %convert_element_type3A_83 = arith.truncf %slice3A_33 : vector<256x1024xf32> to vector<256x1024xbf16>
    %dot_general3A_84 = arith.constant dense<0.000000e+00> : vector<256x1024xf32>
    %dot_general3A_85 = tpu.matmul %convert_element_type3A_82, %convert_element_type3A_83, %dot_general3A_84 {dimension_numbers = #tpu.dot_dimension_numbers<[1], [0], [0], [1], [0, 0, 1, 1], [], []>, transpose_lhs_hint = false} : vector<256x256xbf16>, vector<256x1024xbf16>, vector<256x1024xf32> -> vector<256x1024xf32>
    %add3A_86 = arith.addf %add3A_60, %dot_general3A_75 : vector<256x1024xf32>
    %add3A_87 = arith.addf %add3A_65, %dot_general3A_85 : vector<256x1024xf32>
    %get3A_88 = arith.constant 0 : index
    %get3A_89 = arith.constant 3 : index
    %get3A_90 = arith.constant 0 : index
    %get3A_91 = arith.constant 0 : index
    %get3A_92 = vector.load %arg3[%get3A_88, %get3A_89, %get3A_90, %get3A_91] : memref<5x4x256x256xf32, #tpu.memory_space<vmem>>, vector<1x1x256x256xf32>
    %get3A_93 = vector.shape_cast %get3A_92 : vector<1x1x256x256xf32> to vector<256x256xf32>
    %convert_element_type3A_94 = arith.truncf %get3A_93 : vector<256x256xf32> to vector<256x256xbf16>
    %convert_element_type3A_95 = arith.truncf %slice3A_34 : vector<256x1024xf32> to vector<256x1024xbf16>
    %dot_general3A_96 = arith.constant dense<0.000000e+00> : vector<256x1024xf32>
    %dot_general3A_97 = tpu.matmul %convert_element_type3A_94, %convert_element_type3A_95, %dot_general3A_96 {dimension_numbers = #tpu.dot_dimension_numbers<[1], [0], [0], [1], [0, 0, 1, 1], [], []>, transpose_lhs_hint = false} : vector<256x256xbf16>, vector<256x1024xbf16>, vector<256x1024xf32> -> vector<256x1024xf32>
    %get3A_98 = arith.constant 0 : index
    %get3A_99 = arith.constant 1 : index
    %get3A_100 = arith.constant 0 : index
    %get3A_101 = arith.constant 0 : index
    %get3A_102 = vector.load %arg3[%get3A_98, %get3A_99, %get3A_100, %get3A_101] : memref<5x4x256x256xf32, #tpu.memory_space<vmem>>, vector<1x1x256x256xf32>
    %get3A_103 = vector.shape_cast %get3A_102 : vector<1x1x256x256xf32> to vector<256x256xf32>
    %convert_element_type3A_104 = arith.truncf %get3A_103 : vector<256x256xf32> to vector<256x256xbf16>
    %convert_element_type3A_105 = arith.truncf %slice3A_34 : vector<256x1024xf32> to vector<256x1024xbf16>
    %dot_general3A_106 = arith.constant dense<0.000000e+00> : vector<256x1024xf32>
    %dot_general3A_107 = tpu.matmul %convert_element_type3A_104, %convert_element_type3A_105, %dot_general3A_106 {dimension_numbers = #tpu.dot_dimension_numbers<[1], [0], [0], [1], [0, 0, 1, 1], [], []>, transpose_lhs_hint = false} : vector<256x256xbf16>, vector<256x1024xbf16>, vector<256x1024xf32> -> vector<256x1024xf32>
    %add3A_108 = arith.addf %add3A_86, %dot_general3A_97 : vector<256x1024xf32>
    %add3A_109 = arith.addf %add3A_87, %dot_general3A_107 : vector<256x1024xf32>
    %get3A_110 = arith.constant 0 : index
    %get3A_111 = arith.constant 0 : index
    %get3A_112 = arith.constant 0 : index
    %get3A_113 = arith.constant 0 : index
    %get3A_114 = vector.load %arg3[%get3A_110, %get3A_111, %get3A_112, %get3A_113] : memref<5x4x256x256xf32, #tpu.memory_space<vmem>>, vector<1x1x256x256xf32>
    %get3A_115 = vector.shape_cast %get3A_114 : vector<1x1x256x256xf32> to vector<256x256xf32>
    %convert_element_type3A_116 = arith.truncf %get3A_115 : vector<256x256xf32> to vector<256x256xbf16>
    %convert_element_type3A_117 = arith.truncf %slice3A_35 : vector<256x1024xf32> to vector<256x1024xbf16>
    %dot_general3A_118 = arith.constant dense<0.000000e+00> : vector<256x1024xf32>
    %dot_general3A_119 = tpu.matmul %convert_element_type3A_116, %convert_element_type3A_117, %dot_general3A_118 {dimension_numbers = #tpu.dot_dimension_numbers<[1], [0], [0], [1], [0, 0, 1, 1], [], []>, transpose_lhs_hint = false} : vector<256x256xbf16>, vector<256x1024xbf16>, vector<256x1024xf32> -> vector<256x1024xf32>
    %get3A_120 = arith.constant 0 : index
    %get3A_121 = arith.constant 2 : index
    %get3A_122 = arith.constant 0 : index
    %get3A_123 = arith.constant 0 : index
    %get3A_124 = vector.load %arg3[%get3A_120, %get3A_121, %get3A_122, %get3A_123] : memref<5x4x256x256xf32, #tpu.memory_space<vmem>>, vector<1x1x256x256xf32>
    %get3A_125 = vector.shape_cast %get3A_124 : vector<1x1x256x256xf32> to vector<256x256xf32>
    %convert_element_type3A_126 = arith.truncf %get3A_125 : vector<256x256xf32> to vector<256x256xbf16>
    %convert_element_type3A_127 = arith.truncf %slice3A_35 : vector<256x1024xf32> to vector<256x1024xbf16>
    %dot_general3A_128 = arith.constant dense<0.000000e+00> : vector<256x1024xf32>
    %dot_general3A_129 = tpu.matmul %convert_element_type3A_126, %convert_element_type3A_127, %dot_general3A_128 {dimension_numbers = #tpu.dot_dimension_numbers<[1], [0], [0], [1], [0, 0, 1, 1], [], []>, transpose_lhs_hint = false} : vector<256x256xbf16>, vector<256x1024xbf16>, vector<256x1024xf32> -> vector<256x1024xf32>
    %broadcast_in_dim3A_130 = arith.constant 0.000000e+00 : f32
    %broadcast_in_dim3A_131 = vector.broadcast %broadcast_in_dim3A_130 : f32 to vector<256x1xf32>
    %slice3A_132 = vector.extract_strided_slice %dot_general3A_119 {offsets = [0, 0], sizes = [256, 1023], strides = [1, 1]} : vector<256x1024xf32> to vector<256x1023xf32>
    %concatenate3A_133 = tpu.concatenate %broadcast_in_dim3A_131, %slice3A_132 in 1 : vector<256x1xf32>, vector<256x1023xf32> -> vector<256x1024xf32>
    %add3A_134 = arith.addf %add3A_108, %concatenate3A_133 : vector<256x1024xf32>
    %add3A_135 = arith.addf %add3A_109, %dot_general3A_129 : vector<256x1024xf32>
    %get3A_136 = arith.constant 256 : index
    %get3A_137 = arith.constant 0 : index
    %get3A_138 = vector.load %arg5[%get3A_136, %get3A_137] : memref<1928x1xf32, #tpu.memory_space<vmem>>, vector<256x1xf32>
    %add3A_139 = vector.broadcast %get3A_138 : vector<256x1xf32> to vector<256x1024xf32>
    %add3A_140 = arith.addf %add3A_134, %add3A_139 : vector<256x1024xf32>
    %max3A_141 = arith.constant 0.000000e+00 : f32
    %max3A_142 = vector.broadcast %max3A_141 : f32 to vector<256x1024xf32>
    %max3A_143 = arith.maximumf %add3A_140, %max3A_142 : vector<256x1024xf32>
    %get3A_144 = arith.constant 256 : index
    %get3A_145 = arith.constant 0 : index
    %get3A_146 = vector.load %arg5[%get3A_144, %get3A_145] : memref<1928x1xf32, #tpu.memory_space<vmem>>, vector<256x1xf32>
    %add3A_147 = vector.broadcast %get3A_146 : vector<256x1xf32> to vector<256x1024xf32>
    %add3A_148 = arith.addf %add3A_135, %add3A_147 : vector<256x1024xf32>
    %max3A_149 = arith.constant 0.000000e+00 : f32
    %max3A_150 = vector.broadcast %max3A_149 : f32 to vector<256x1024xf32>
    %max3A_151 = arith.maximumf %add3A_148, %max3A_150 : vector<256x1024xf32>
    %get3A_152 = arith.constant 1 : index
    %get3A_153 = arith.constant 1 : index
    %get3A_154 = arith.constant 0 : index
    %get3A_155 = arith.constant 0 : index
    %get3A_156 = vector.load %arg3[%get3A_152, %get3A_153, %get3A_154, %get3A_155] : memref<5x4x256x256xf32, #tpu.memory_space<vmem>>, vector<1x1x256x256xf32>
    %get3A_157 = vector.shape_cast %get3A_156 : vector<1x1x256x256xf32> to vector<256x256xf32>
    %convert_element_type3A_158 = arith.truncf %get3A_157 : vector<256x256xf32> to vector<256x256xbf16>
    %convert_element_type3A_159 = arith.truncf %max3A_143 : vector<256x1024xf32> to vector<256x1024xbf16>
    %dot_general3A_160 = arith.constant dense<0.000000e+00> : vector<256x1024xf32>
    %dot_general3A_161 = tpu.matmul %convert_element_type3A_158, %convert_element_type3A_159, %dot_general3A_160 {dimension_numbers = #tpu.dot_dimension_numbers<[1], [0], [0], [1], [0, 0, 1, 1], [], []>, transpose_lhs_hint = false} : vector<256x256xbf16>, vector<256x1024xbf16>, vector<256x1024xf32> -> vector<256x1024xf32>
    %get3A_162 = arith.constant 1 : index
    %get3A_163 = arith.constant 3 : index
    %get3A_164 = arith.constant 0 : index
    %get3A_165 = arith.constant 0 : index
    %get3A_166 = vector.load %arg3[%get3A_162, %get3A_163, %get3A_164, %get3A_165] : memref<5x4x256x256xf32, #tpu.memory_space<vmem>>, vector<1x1x256x256xf32>
    %get3A_167 = vector.shape_cast %get3A_166 : vector<1x1x256x256xf32> to vector<256x256xf32>
    %convert_element_type3A_168 = arith.truncf %get3A_167 : vector<256x256xf32> to vector<256x256xbf16>
    %convert_element_type3A_169 = arith.truncf %max3A_143 : vector<256x1024xf32> to vector<256x1024xbf16>
    %dot_general3A_170 = arith.constant dense<0.000000e+00> : vector<256x1024xf32>
    %dot_general3A_171 = tpu.matmul %convert_element_type3A_168, %convert_element_type3A_169, %dot_general3A_170 {dimension_numbers = #tpu.dot_dimension_numbers<[1], [0], [0], [1], [0, 0, 1, 1], [], []>, transpose_lhs_hint = false} : vector<256x256xbf16>, vector<256x1024xbf16>, vector<256x1024xf32> -> vector<256x1024xf32>
    %slice3A_172 = vector.extract_strided_slice %dot_general3A_171 {offsets = [0, 1], sizes = [256, 1023], strides = [1, 1]} : vector<256x1024xf32> to vector<256x1023xf32>
    %broadcast_in_dim3A_173 = arith.constant 0.000000e+00 : f32
    %broadcast_in_dim3A_174 = vector.broadcast %broadcast_in_dim3A_173 : f32 to vector<256x1xf32>
    %concatenate3A_175 = tpu.concatenate %slice3A_172, %broadcast_in_dim3A_174 in 1 : vector<256x1023xf32>, vector<256x1xf32> -> vector<256x1024xf32>
    %add3A_176 = arith.addf %dot_general3A_161, %concatenate3A_175 : vector<256x1024xf32>
    %get3A_177 = arith.constant 1 : index
    %get3A_178 = arith.constant 0 : index
    %get3A_179 = arith.constant 0 : index
    %get3A_180 = arith.constant 0 : index
    %get3A_181 = vector.load %arg3[%get3A_177, %get3A_178, %get3A_179, %get3A_180] : memref<5x4x256x256xf32, #tpu.memory_space<vmem>>, vector<1x1x256x256xf32>
    %get3A_182 = vector.shape_cast %get3A_181 : vector<1x1x256x256xf32> to vector<256x256xf32>
    %convert_element_type3A_183 = arith.truncf %get3A_182 : vector<256x256xf32> to vector<256x256xbf16>
    %convert_element_type3A_184 = arith.truncf %max3A_151 : vector<256x1024xf32> to vector<256x1024xbf16>
    %dot_general3A_185 = arith.constant dense<0.000000e+00> : vector<256x1024xf32>
    %dot_general3A_186 = tpu.matmul %convert_element_type3A_183, %convert_element_type3A_184, %dot_general3A_185 {dimension_numbers = #tpu.dot_dimension_numbers<[1], [0], [0], [1], [0, 0, 1, 1], [], []>, transpose_lhs_hint = false} : vector<256x256xbf16>, vector<256x1024xbf16>, vector<256x1024xf32> -> vector<256x1024xf32>
    %broadcast_in_dim3A_187 = arith.constant 0.000000e+00 : f32
    %broadcast_in_dim3A_188 = vector.broadcast %broadcast_in_dim3A_187 : f32 to vector<256x1xf32>
    %slice3A_189 = vector.extract_strided_slice %dot_general3A_186 {offsets = [0, 0], sizes = [256, 1023], strides = [1, 1]} : vector<256x1024xf32> to vector<256x1023xf32>
    %concatenate3A_190 = tpu.concatenate %broadcast_in_dim3A_188, %slice3A_189 in 1 : vector<256x1xf32>, vector<256x1023xf32> -> vector<256x1024xf32>
    %add3A_191 = arith.addf %add3A_176, %concatenate3A_190 : vector<256x1024xf32>
    %get3A_192 = arith.constant 1 : index
    %get3A_193 = arith.constant 2 : index
    %get3A_194 = arith.constant 0 : index
    %get3A_195 = arith.constant 0 : index
    %get3A_196 = vector.load %arg3[%get3A_192, %get3A_193, %get3A_194, %get3A_195] : memref<5x4x256x256xf32, #tpu.memory_space<vmem>>, vector<1x1x256x256xf32>
    %get3A_197 = vector.shape_cast %get3A_196 : vector<1x1x256x256xf32> to vector<256x256xf32>
    %convert_element_type3A_198 = arith.truncf %get3A_197 : vector<256x256xf32> to vector<256x256xbf16>
    %convert_element_type3A_199 = arith.truncf %max3A_151 : vector<256x1024xf32> to vector<256x1024xbf16>
    %dot_general3A_200 = arith.constant dense<0.000000e+00> : vector<256x1024xf32>
    %dot_general3A_201 = tpu.matmul %convert_element_type3A_198, %convert_element_type3A_199, %dot_general3A_200 {dimension_numbers = #tpu.dot_dimension_numbers<[1], [0], [0], [1], [0, 0, 1, 1], [], []>, transpose_lhs_hint = false} : vector<256x256xbf16>, vector<256x1024xbf16>, vector<256x1024xf32> -> vector<256x1024xf32>
    %add3A_202 = arith.addf %add3A_191, %dot_general3A_201 : vector<256x1024xf32>
    %get3A_203 = arith.constant 512 : index
    %get3A_204 = arith.constant 0 : index
    %get3A_205 = vector.load %arg5[%get3A_203, %get3A_204] : memref<1928x1xf32, #tpu.memory_space<vmem>>, vector<256x1xf32>
    %add3A_206 = vector.broadcast %get3A_205 : vector<256x1xf32> to vector<256x1024xf32>
    %add3A_207 = arith.addf %add3A_202, %add3A_206 : vector<256x1024xf32>
    %max3A_208 = arith.constant 0.000000e+00 : f32
    %max3A_209 = vector.broadcast %max3A_208 : f32 to vector<256x1024xf32>
    %max3A_210 = arith.maximumf %add3A_207, %max3A_209 : vector<256x1024xf32>
    %get3A_211 = arith.constant 0 : index
    %get3A_212 = arith.constant 0 : index
    %get3A_213 = arith.constant 0 : index
    %get3A_214 = vector.load %arg4[%get3A_211, %get3A_212, %get3A_213] : memref<3x128x256xf32, #tpu.memory_space<vmem>>, vector<1x128x256xf32>
    %get3A_215 = vector.shape_cast %get3A_214 : vector<1x128x256xf32> to vector<128x256xf32>
    %convert_element_type3A_216 = arith.truncf %get3A_215 : vector<128x256xf32> to vector<128x256xbf16>
    %convert_element_type3A_217 = arith.truncf %max3A_210 : vector<256x1024xf32> to vector<256x1024xbf16>
    %dot_general3A_218 = arith.constant dense<0.000000e+00> : vector<128x1024xf32>
    %dot_general3A_219 = tpu.matmul %convert_element_type3A_216, %convert_element_type3A_217, %dot_general3A_218 {dimension_numbers = #tpu.dot_dimension_numbers<[1], [0], [0], [1], [0, 0, 1, 1], [], []>, transpose_lhs_hint = false} : vector<128x256xbf16>, vector<256x1024xbf16>, vector<128x1024xf32> -> vector<128x1024xf32>
    %broadcast_in_dim3A_220 = arith.constant 0.000000e+00 : f32
    %broadcast_in_dim3A_221 = vector.broadcast %broadcast_in_dim3A_220 : f32 to vector<128x1xf32>
    %slice3A_222 = vector.extract_strided_slice %dot_general3A_219 {offsets = [0, 0], sizes = [128, 1023], strides = [1, 1]} : vector<128x1024xf32> to vector<128x1023xf32>
    %concatenate3A_223 = tpu.concatenate %broadcast_in_dim3A_221, %slice3A_222 in 1 : vector<128x1xf32>, vector<128x1023xf32> -> vector<128x1024xf32>
    %get3A_224 = arith.constant 1 : index
    %get3A_225 = arith.constant 0 : index
    %get3A_226 = arith.constant 0 : index
    %get3A_227 = vector.load %arg4[%get3A_224, %get3A_225, %get3A_226] : memref<3x128x256xf32, #tpu.memory_space<vmem>>, vector<1x128x256xf32>
    %get3A_228 = vector.shape_cast %get3A_227 : vector<1x128x256xf32> to vector<128x256xf32>
    %convert_element_type3A_229 = arith.truncf %get3A_228 : vector<128x256xf32> to vector<128x256xbf16>
    %convert_element_type3A_230 = arith.truncf %max3A_210 : vector<256x1024xf32> to vector<256x1024xbf16>
    %dot_general3A_231 = arith.constant dense<0.000000e+00> : vector<128x1024xf32>
    %dot_general3A_232 = tpu.matmul %convert_element_type3A_229, %convert_element_type3A_230, %dot_general3A_231 {dimension_numbers = #tpu.dot_dimension_numbers<[1], [0], [0], [1], [0, 0, 1, 1], [], []>, transpose_lhs_hint = false} : vector<128x256xbf16>, vector<256x1024xbf16>, vector<128x1024xf32> -> vector<128x1024xf32>
    %add3A_233 = arith.addf %concatenate3A_223, %dot_general3A_232 : vector<128x1024xf32>
    %get3A_234 = arith.constant 2 : index
    %get3A_235 = arith.constant 0 : index
    %get3A_236 = arith.constant 0 : index
    %get3A_237 = vector.load %arg4[%get3A_234, %get3A_235, %get3A_236] : memref<3x128x256xf32, #tpu.memory_space<vmem>>, vector<1x128x256xf32>
    %get3A_238 = vector.shape_cast %get3A_237 : vector<1x128x256xf32> to vector<128x256xf32>
    %convert_element_type3A_239 = arith.truncf %get3A_238 : vector<128x256xf32> to vector<128x256xbf16>
    %convert_element_type3A_240 = arith.truncf %max3A_210 : vector<256x1024xf32> to vector<256x1024xbf16>
    %dot_general3A_241 = arith.constant dense<0.000000e+00> : vector<128x1024xf32>
    %dot_general3A_242 = tpu.matmul %convert_element_type3A_239, %convert_element_type3A_240, %dot_general3A_241 {dimension_numbers = #tpu.dot_dimension_numbers<[1], [0], [0], [1], [0, 0, 1, 1], [], []>, transpose_lhs_hint = false} : vector<128x256xbf16>, vector<256x1024xbf16>, vector<128x1024xf32> -> vector<128x1024xf32>
    %slice3A_243 = vector.extract_strided_slice %dot_general3A_242 {offsets = [0, 1], sizes = [128, 1023], strides = [1, 1]} : vector<128x1024xf32> to vector<128x1023xf32>
    %broadcast_in_dim3A_244 = arith.constant 0.000000e+00 : f32
    %broadcast_in_dim3A_245 = vector.broadcast %broadcast_in_dim3A_244 : f32 to vector<128x1xf32>
    %concatenate3A_246 = tpu.concatenate %slice3A_243, %broadcast_in_dim3A_245 in 1 : vector<128x1023xf32>, vector<128x1xf32> -> vector<128x1024xf32>
    %add3A_247 = arith.addf %add3A_233, %concatenate3A_246 : vector<128x1024xf32>
    %add3A_248 = vector.broadcast %get3A_1 : vector<128x1xf32> to vector<128x1024xf32>
    %add3A_249 = arith.addf %add3A_247, %add3A_248 : vector<128x1024xf32>
    %swap3A = arith.constant 0 : index
    %swap3A_250 = arith.constant 0 : index
    %swap3A_251 = arith.constant 0 : index
    %swap3A_252 = vector.load %arg7[%swap3A, %swap3A_250, %swap3A_251] : memref<1x128x1024xf32, #tpu.memory_space<vmem>>, vector<1x128x1024xf32>
    %swap3A_253 = vector.shape_cast %swap3A_252 : vector<1x128x1024xf32> to vector<128x1024xf32>
    %swap3A_254 = vector.shape_cast %add3A_249 : vector<128x1024xf32> to vector<1x128x1024xf32>
    tpu.vector_store %arg7[%swap3A, %swap3A_250, %swap3A_251], %swap3A_254 {strides = array<i32>} : memref<1x128x1024xf32, #tpu.memory_space<vmem>>, vector<1x128x1024xf32>,
    %get3A_255 = arith.constant 0 : index
    %get3A_256 = arith.constant 0 : index
    %get3A_257 = vector.load %arg6[%get3A_255, %get3A_256] : memref<1024x128xf32, #tpu.memory_space<vmem>>, vector<1024x128xf32>
    %mul3A = arith.mulf %get3A_257, %get3A_257 : vector<1024x128xf32>
    %reduce_sum3A = arith.constant dense<0.000000e+00> : vector<1024xf32>
    %reduce_sum3A_258 = vector.multi_reduction <add>, %mul3A, %reduce_sum3A [1] : vector<1024x128xf32> to vector<1024xf32>
    %broadcast_in_dim3A_259 = vector.shape_cast %reduce_sum3A_258 : vector<1024xf32> to vector<1024x1xf32>
    %sqrt3A = math.sqrt %broadcast_in_dim3A_259 : vector<1024x1xf32>
    %add3A_260 = arith.constant 9.99999993E-9 : f32
    %add3A_261 = vector.broadcast %add3A_260 : f32 to vector<1024x1xf32>
    %add3A_262 = arith.addf %sqrt3A, %add3A_261 : vector<1024x1xf32>
    %div3A = vector.broadcast %add3A_262 : vector<1024x1xf32> to vector<1024x128xf32>
    %div3A_263 = arith.divf %get3A_257, %div3A : vector<1024x128xf32>
    %swap3A_264 = arith.constant 0 : index
    %swap3A_265 = arith.constant 0 : index
    %swap3A_266 = vector.load %arg9[%swap3A_264, %swap3A_265] : memref<1024x128xf32, #tpu.memory_space<vmem>>, vector<1024x128xf32>
    tpu.vector_store %arg9[%swap3A_264, %swap3A_265], %div3A_263 {strides = array<i32>} : memref<1024x128xf32, #tpu.memory_space<vmem>>, vector<1024x128xf32>,
    %mul3A_267 = arith.mulf %add3A_249, %add3A_249 : vector<128x1024xf32>
    %reduce_sum3A_268 = arith.constant dense<0.000000e+00> : vector<1024xf32>
    %reduce_sum3A_269 = vector.multi_reduction <add>, %mul3A_267, %reduce_sum3A_268 [0] : vector<128x1024xf32> to vector<1024xf32>
    %broadcast_in_dim3A_270 = vector.shape_cast %reduce_sum3A_269 : vector<1024xf32> to vector<1x1024xf32>
    %sqrt3A_271 = math.sqrt %broadcast_in_dim3A_270 : vector<1x1024xf32>
    %add3A_272 = arith.constant 9.99999993E-9 : f32
    %add3A_273 = vector.broadcast %add3A_272 : f32 to vector<1x1024xf32>
    %add3A_274 = arith.addf %sqrt3A_271, %add3A_273 : vector<1x1024xf32>
    %div3A_275 = vector.broadcast %add3A_274 : vector<1x1024xf32> to vector<128x1024xf32>
    %div3A_276 = arith.divf %add3A_249, %div3A_275 : vector<128x1024xf32>
    %convert_element_type3A_277 = arith.truncf %div3A_263 : vector<1024x128xf32> to vector<1024x128xbf16>
    %convert_element_type3A_278 = arith.truncf %div3A_276 : vector<128x1024xf32> to vector<128x1024xbf16>
    %dot_general3A_279 = arith.constant dense<0.000000e+00> : vector<1024x1024xf32>
    %dot_general3A_280 = tpu.matmul %convert_element_type3A_277, %convert_element_type3A_278, %dot_general3A_279 {dimension_numbers = #tpu.dot_dimension_numbers<[1], [0], [0], [1], [0, 0, 1, 1], [], []>, transpose_lhs_hint = false} : vector<1024x128xbf16>, vector<128x1024xbf16>, vector<1024x1024xf32> -> vector<1024x1024xf32>
    %reduce_max3A = arith.constant dense<0xFF800000> : vector<1024xf32>
    %reduce_max3A_281 = vector.multi_reduction <maximumf>, %dot_general3A_280, %reduce_max3A [0] : vector<1024x1024xf32> to vector<1024xf32>
    %broadcast_in_dim3A_282 = vector.shape_cast %reduce_max3A_281 : vector<1024xf32> to vector<1x1024xf32>
    %iota3A = tpu.iota {dimensions = array<i32: 0>} : vector<1024x1024xi32>
    %ge3A = vector.broadcast %broadcast_in_dim3A_282 : vector<1x1024xf32> to vector<1024x1024xf32>
    %ge3A_283 = arith.cmpf oge, %dot_general3A_280, %ge3A : vector<1024x1024xf32>
    %jit3A = arith.constant 1024 : i32
    %broadcast_in_dim3A_284 = vector.broadcast %jit3A : i32 to vector<1024x1024xi32>
    %select_n3A = arith.select %ge3A_283, %iota3A, %broadcast_in_dim3A_284 : vector<1024x1024xi1>, vector<1024x1024xi32>
    %reduce_min3A = arith.constant dense<2147483647> : vector<1024xi32>
    %reduce_min3A_285 = vector.multi_reduction <minsi>, %select_n3A, %reduce_min3A [0] : vector<1024x1024xi32> to vector<1024xi32>
    %broadcast_in_dim3A_286 = vector.shape_cast %reduce_min3A_285 : vector<1024xi32> to vector<1x1024xi32>
    %swap3A_287 = arith.constant 0 : index
    %swap3A_288 = arith.constant 0 : index
    %swap3A_289 = arith.constant 0 : index
    %swap3A_290 = vector.load %arg8[%swap3A_287, %swap3A_288, %swap3A_289] : memref<1x1x1024xi32, #tpu.memory_space<vmem>>, vector<1x1x1024xi32>
    %swap3A_291 = vector.shape_cast %swap3A_290 : vector<1x1x1024xi32> to vector<1x1024xi32>
    %swap3A_292 = vector.shape_cast %broadcast_in_dim3A_286 : vector<1x1024xi32> to vector<1x1x1024xi32>
    tpu.vector_store %arg8[%swap3A_287, %swap3A_288, %swap3A_289], %swap3A_292 {strides = array<i32>} : memref<1x1x1024xi32, #tpu.memory_space<vmem>>, vector<1x1x1024xi32>,
    return
  }
  func.func @transform_0(%arg0: i32) -> (i32, i32, i32) {
    %c0_i32 = arith.constant 0 : i32
    %c0_i32_0 = arith.constant 0 : i32
    %c0_i32_1 = arith.constant 0 : i32
    return %arg0, %c0_i32, %c0_i32_0 : i32, i32, i32
  }
  func.func @transform_1(%arg0: i32) -> (i32, i32) {
    %c0_i32 = arith.constant 0 : i32
    %c0_i32_0 = arith.constant 0 : i32
    %c0_i32_1 = arith.constant 0 : i32
    return %c0_i32, %c0_i32_0 : i32, i32
  }
  func.func @transform_2(%arg0: i32) -> (i32, i32, i32, i32) {
    %c0_i32 = arith.constant 0 : i32
    %c0_i32_0 = arith.constant 0 : i32
    %c0_i32_1 = arith.constant 0 : i32
    %c0_i32_2 = arith.constant 0 : i32
    %c0_i32_3 = arith.constant 0 : i32
    return %c0_i32, %c0_i32_0, %c0_i32_1, %c0_i32_2 : i32, i32, i32, i32
  }
  func.func @transform_3(%arg0: i32) -> (i32, i32, i32) {
    %c0_i32 = arith.constant 0 : i32
    %c0_i32_0 = arith.constant 0 : i32
    %c0_i32_1 = arith.constant 0 : i32
    %c0_i32_2 = arith.constant 0 : i32
    return %c0_i32, %c0_i32_0, %c0_i32_1 : i32, i32, i32
  }
  func.func @transform_4(%arg0: i32) -> (i32, i32) {
    %c0_i32 = arith.constant 0 : i32
    %c0_i32_0 = arith.constant 0 : i32
    %c0_i32_1 = arith.constant 0 : i32
    return %c0_i32, %c0_i32_0 : i32, i32
  }
  func.func @transform_5(%arg0: i32) -> (i32, i32) {
    %c0_i32 = arith.constant 0 : i32
    %c0_i32_0 = arith.constant 0 : i32
    %c0_i32_1 = arith.constant 0 : i32
    return %c0_i32, %c0_i32_0 : i32, i32
  }
  func.func @transform_6(%arg0: i32) -> (i32, i32, i32) {
    %c0_i32 = arith.constant 0 : i32
    %c0_i32_0 = arith.constant 0 : i32
    %c0_i32_1 = arith.constant 0 : i32
    return %arg0, %c0_i32, %c0_i32_0 : i32, i32, i32
  }
  func.func @transform_7(%arg0: i32) -> (i32, i32, i32) {
    %c0_i32 = arith.constant 0 : i32
    %c0_i32_0 = arith.constant 0 : i32
    %c0_i32_1 = arith.constant 0 : i32
    return %arg0, %c0_i32, %c0_i32_0 : i32, i32, i32
  }
  func.func @transform_8(%arg0: i32) -> (i32, i32) {
    %c0_i32 = arith.constant 0 : i32
    %c0_i32_0 = arith.constant 0 : i32
    %c0_i32_1 = arith.constant 0 : i32
    return %c0_i32, %c0_i32_0 : i32, i32
  }
}

module attributes {stable_mosaic.version = 14 : i64} {
  func.func @_dec_kernel(%arg0: i32, %arg1: memref<1024x128xf32, #tpu.memory_space<vmem>>, %arg2: memref<5x4x256x256xf32, #tpu.memory_space<vmem>>, %arg3: memref<3x256x128xf32, #tpu.memory_space<vmem>>, %arg4: memref<256x3xf32, #tpu.memory_space<vmem>>, %arg5: memref<1928x1xf32, #tpu.memory_space<vmem>>, %arg6: memref<1x8x1024xf32, #tpu.memory_space<vmem>>, %arg7: memref<1x128x1024xf32, #tpu.memory_space<vmem>>) attributes {dimension_semantics = [#tpu.dimension_semantics<arbitrary>], iteration_bounds = array<i64: 4>, scalar_prefetch = 0 : i64, scratch_operands = 0 : i64, tpu.core_type = #tpu.core_type<tc>, window_params = [{transform_indices = @transform_0, window_bounds = array<i64: 1024, 128>}, {pipeline_mode = #tpu.pipeline_mode<synchronous>, transform_indices = @transform_1, window_bounds = array<i64: 5, 4, 256, 256>}, {pipeline_mode = #tpu.pipeline_mode<synchronous>, transform_indices = @transform_2, window_bounds = array<i64: 3, 256, 128>}, {pipeline_mode = #tpu.pipeline_mode<synchronous>, transform_indices = @transform_3, window_bounds = array<i64: 256, 3>}, {pipeline_mode = #tpu.pipeline_mode<synchronous>, transform_indices = @transform_4, window_bounds = array<i64: 1928, 1>}, {transform_indices = @transform_5, window_bounds = array<i64: 1, 8, 1024>}, {transform_indices = @transform_6, window_bounds = array<i64: 1, 128, 1024>}]} {
    %get3A = arith.constant 1920 : index
    %get3A_0 = arith.constant 0 : index
    %get3A_1 = vector.load %arg5[%get3A, %get3A_0] : memref<1928x1xf32, #tpu.memory_space<vmem>>, vector<8x1xf32>
    %slice3A = vector.extract_strided_slice %get3A_1 {offsets = [0, 0], sizes = [1, 1], strides = [1, 1]} : vector<8x1xf32> to vector<1x1xf32>
    %get3A_2 = arith.constant 0 : index
    %get3A_3 = arith.constant 0 : index
    %get3A_4 = vector.load %arg1[%get3A_2, %get3A_3] : memref<1024x128xf32, #tpu.memory_space<vmem>>, vector<1024x128xf32>
    %transpose3A = tpu.transpose %get3A_4, [1, 0] : vector<1024x128xf32> -> vector<128x1024xf32>
    %swap3A = arith.constant 0 : index
    %swap3A_5 = arith.constant 0 : index
    %swap3A_6 = arith.constant 0 : index
    %swap3A_7 = vector.load %arg7[%swap3A, %swap3A_5, %swap3A_6] : memref<1x128x1024xf32, #tpu.memory_space<vmem>>, vector<1x128x1024xf32>
    %swap3A_8 = vector.shape_cast %swap3A_7 : vector<1x128x1024xf32> to vector<128x1024xf32>
    %swap3A_9 = vector.shape_cast %transpose3A : vector<128x1024xf32> to vector<1x128x1024xf32>
    tpu.vector_store %arg7[%swap3A, %swap3A_5, %swap3A_6], %swap3A_9 {strides = array<i32>} : memref<1x128x1024xf32, #tpu.memory_space<vmem>>, vector<1x128x1024xf32>,
    %get3A_10 = arith.constant 0 : index
    %get3A_11 = arith.constant 0 : index
    %get3A_12 = arith.constant 0 : index
    %get3A_13 = vector.load %arg3[%get3A_10, %get3A_11, %get3A_12] : memref<3x256x128xf32, #tpu.memory_space<vmem>>, vector<1x256x128xf32>
    %get3A_14 = vector.shape_cast %get3A_13 : vector<1x256x128xf32> to vector<256x128xf32>
    %convert_element_type3A = arith.truncf %get3A_14 : vector<256x128xf32> to vector<256x128xbf16>
    %convert_element_type3A_15 = arith.truncf %transpose3A : vector<128x1024xf32> to vector<128x1024xbf16>
    %dot_general3A = arith.constant dense<0.000000e+00> : vector<256x1024xf32>
    %dot_general3A_16 = tpu.matmul %convert_element_type3A, %convert_element_type3A_15, %dot_general3A {dimension_numbers = #tpu.dot_dimension_numbers<[1], [0], [0], [1], [0, 0, 1, 1], [], []>, transpose_lhs_hint = false} : vector<256x128xbf16>, vector<128x1024xbf16>, vector<256x1024xf32> -> vector<256x1024xf32>
    %broadcast_in_dim3A = arith.constant 0.000000e+00 : f32
    %broadcast_in_dim3A_17 = vector.broadcast %broadcast_in_dim3A : f32 to vector<256x1xf32>
    %slice3A_18 = vector.extract_strided_slice %dot_general3A_16 {offsets = [0, 0], sizes = [256, 1023], strides = [1, 1]} : vector<256x1024xf32> to vector<256x1023xf32>
    %concatenate3A = tpu.concatenate %broadcast_in_dim3A_17, %slice3A_18 in 1 : vector<256x1xf32>, vector<256x1023xf32> -> vector<256x1024xf32>
    %get3A_19 = arith.constant 1 : index
    %get3A_20 = arith.constant 0 : index
    %get3A_21 = arith.constant 0 : index
    %get3A_22 = vector.load %arg3[%get3A_19, %get3A_20, %get3A_21] : memref<3x256x128xf32, #tpu.memory_space<vmem>>, vector<1x256x128xf32>
    %get3A_23 = vector.shape_cast %get3A_22 : vector<1x256x128xf32> to vector<256x128xf32>
    %convert_element_type3A_24 = arith.truncf %get3A_23 : vector<256x128xf32> to vector<256x128xbf16>
    %convert_element_type3A_25 = arith.truncf %transpose3A : vector<128x1024xf32> to vector<128x1024xbf16>
    %dot_general3A_26 = arith.constant dense<0.000000e+00> : vector<256x1024xf32>
    %dot_general3A_27 = tpu.matmul %convert_element_type3A_24, %convert_element_type3A_25, %dot_general3A_26 {dimension_numbers = #tpu.dot_dimension_numbers<[1], [0], [0], [1], [0, 0, 1, 1], [], []>, transpose_lhs_hint = false} : vector<256x128xbf16>, vector<128x1024xbf16>, vector<256x1024xf32> -> vector<256x1024xf32>
    %add3A = arith.addf %concatenate3A, %dot_general3A_27 : vector<256x1024xf32>
    %get3A_28 = arith.constant 2 : index
    %get3A_29 = arith.constant 0 : index
    %get3A_30 = arith.constant 0 : index
    %get3A_31 = vector.load %arg3[%get3A_28, %get3A_29, %get3A_30] : memref<3x256x128xf32, #tpu.memory_space<vmem>>, vector<1x256x128xf32>
    %get3A_32 = vector.shape_cast %get3A_31 : vector<1x256x128xf32> to vector<256x128xf32>
    %convert_element_type3A_33 = arith.truncf %get3A_32 : vector<256x128xf32> to vector<256x128xbf16>
    %convert_element_type3A_34 = arith.truncf %transpose3A : vector<128x1024xf32> to vector<128x1024xbf16>
    %dot_general3A_35 = arith.constant dense<0.000000e+00> : vector<256x1024xf32>
    %dot_general3A_36 = tpu.matmul %convert_element_type3A_33, %convert_element_type3A_34, %dot_general3A_35 {dimension_numbers = #tpu.dot_dimension_numbers<[1], [0], [0], [1], [0, 0, 1, 1], [], []>, transpose_lhs_hint = false} : vector<256x128xbf16>, vector<128x1024xbf16>, vector<256x1024xf32> -> vector<256x1024xf32>
    %slice3A_37 = vector.extract_strided_slice %dot_general3A_36 {offsets = [0, 1], sizes = [256, 1023], strides = [1, 1]} : vector<256x1024xf32> to vector<256x1023xf32>
    %broadcast_in_dim3A_38 = arith.constant 0.000000e+00 : f32
    %broadcast_in_dim3A_39 = vector.broadcast %broadcast_in_dim3A_38 : f32 to vector<256x1xf32>
    %concatenate3A_40 = tpu.concatenate %slice3A_37, %broadcast_in_dim3A_39 in 1 : vector<256x1023xf32>, vector<256x1xf32> -> vector<256x1024xf32>
    %add3A_41 = arith.addf %add3A, %concatenate3A_40 : vector<256x1024xf32>
    %get3A_42 = arith.constant 768 : index
    %get3A_43 = arith.constant 0 : index
    %get3A_44 = vector.load %arg5[%get3A_42, %get3A_43] : memref<1928x1xf32, #tpu.memory_space<vmem>>, vector<256x1xf32>
    %add3A_45 = vector.broadcast %get3A_44 : vector<256x1xf32> to vector<256x1024xf32>
    %add3A_46 = arith.addf %add3A_41, %add3A_45 : vector<256x1024xf32>
    %max3A = arith.constant 0.000000e+00 : f32
    %max3A_47 = vector.broadcast %max3A : f32 to vector<256x1024xf32>
    %max3A_48 = arith.maximumf %add3A_46, %max3A_47 : vector<256x1024xf32>
    %get3A_49 = arith.constant 2 : index
    %get3A_50 = arith.constant 0 : index
    %get3A_51 = arith.constant 0 : index
    %get3A_52 = arith.constant 0 : index
    %get3A_53 = vector.load %arg2[%get3A_49, %get3A_50, %get3A_51, %get3A_52] : memref<5x4x256x256xf32, #tpu.memory_space<vmem>>, vector<1x1x256x256xf32>
    %get3A_54 = vector.shape_cast %get3A_53 : vector<1x1x256x256xf32> to vector<256x256xf32>
    %convert_element_type3A_55 = arith.truncf %get3A_54 : vector<256x256xf32> to vector<256x256xbf16>
    %convert_element_type3A_56 = arith.truncf %max3A_48 : vector<256x1024xf32> to vector<256x1024xbf16>
    %dot_general3A_57 = arith.constant dense<0.000000e+00> : vector<256x1024xf32>
    %dot_general3A_58 = tpu.matmul %convert_element_type3A_55, %convert_element_type3A_56, %dot_general3A_57 {dimension_numbers = #tpu.dot_dimension_numbers<[0], [0], [1], [1], [0, 1, 1, 1], [], []>, transpose_lhs_hint = false} : vector<256x256xbf16>, vector<256x1024xbf16>, vector<256x1024xf32> -> vector<256x1024xf32>
    %broadcast_in_dim3A_59 = arith.constant 0.000000e+00 : f32
    %broadcast_in_dim3A_60 = vector.broadcast %broadcast_in_dim3A_59 : f32 to vector<256x1xf32>
    %slice3A_61 = vector.extract_strided_slice %dot_general3A_58 {offsets = [0, 0], sizes = [256, 1023], strides = [1, 1]} : vector<256x1024xf32> to vector<256x1023xf32>
    %concatenate3A_62 = tpu.concatenate %broadcast_in_dim3A_60, %slice3A_61 in 1 : vector<256x1xf32>, vector<256x1023xf32> -> vector<256x1024xf32>
    %get3A_63 = arith.constant 2 : index
    %get3A_64 = arith.constant 2 : index
    %get3A_65 = arith.constant 0 : index
    %get3A_66 = arith.constant 0 : index
    %get3A_67 = vector.load %arg2[%get3A_63, %get3A_64, %get3A_65, %get3A_66] : memref<5x4x256x256xf32, #tpu.memory_space<vmem>>, vector<1x1x256x256xf32>
    %get3A_68 = vector.shape_cast %get3A_67 : vector<1x1x256x256xf32> to vector<256x256xf32>
    %convert_element_type3A_69 = arith.truncf %get3A_68 : vector<256x256xf32> to vector<256x256xbf16>
    %convert_element_type3A_70 = arith.truncf %max3A_48 : vector<256x1024xf32> to vector<256x1024xbf16>
    %dot_general3A_71 = arith.constant dense<0.000000e+00> : vector<256x1024xf32>
    %dot_general3A_72 = tpu.matmul %convert_element_type3A_69, %convert_element_type3A_70, %dot_general3A_71 {dimension_numbers = #tpu.dot_dimension_numbers<[0], [0], [1], [1], [0, 1, 1, 1], [], []>, transpose_lhs_hint = false} : vector<256x256xbf16>, vector<256x1024xbf16>, vector<256x1024xf32> -> vector<256x1024xf32>
    %add3A_73 = arith.addf %concatenate3A_62, %dot_general3A_72 : vector<256x1024xf32>
    %get3A_74 = arith.constant 1024 : index
    %get3A_75 = arith.constant 0 : index
    %get3A_76 = vector.load %arg5[%get3A_74, %get3A_75] : memref<1928x1xf32, #tpu.memory_space<vmem>>, vector<256x1xf32>
    %add3A_77 = vector.broadcast %get3A_76 : vector<256x1xf32> to vector<256x1024xf32>
    %add3A_78 = arith.addf %add3A_73, %add3A_77 : vector<256x1024xf32>
    %max3A_79 = arith.constant 0.000000e+00 : f32
    %max3A_80 = vector.broadcast %max3A_79 : f32 to vector<256x1024xf32>
    %max3A_81 = arith.maximumf %add3A_78, %max3A_80 : vector<256x1024xf32>
    %get3A_82 = arith.constant 2 : index
    %get3A_83 = arith.constant 1 : index
    %get3A_84 = arith.constant 0 : index
    %get3A_85 = arith.constant 0 : index
    %get3A_86 = vector.load %arg2[%get3A_82, %get3A_83, %get3A_84, %get3A_85] : memref<5x4x256x256xf32, #tpu.memory_space<vmem>>, vector<1x1x256x256xf32>
    %get3A_87 = vector.shape_cast %get3A_86 : vector<1x1x256x256xf32> to vector<256x256xf32>
    %convert_element_type3A_88 = arith.truncf %get3A_87 : vector<256x256xf32> to vector<256x256xbf16>
    %convert_element_type3A_89 = arith.truncf %max3A_48 : vector<256x1024xf32> to vector<256x1024xbf16>
    %dot_general3A_90 = arith.constant dense<0.000000e+00> : vector<256x1024xf32>
    %dot_general3A_91 = tpu.matmul %convert_element_type3A_88, %convert_element_type3A_89, %dot_general3A_90 {dimension_numbers = #tpu.dot_dimension_numbers<[0], [0], [1], [1], [0, 1, 1, 1], [], []>, transpose_lhs_hint = false} : vector<256x256xbf16>, vector<256x1024xbf16>, vector<256x1024xf32> -> vector<256x1024xf32>
    %get3A_92 = arith.constant 2 : index
    %get3A_93 = arith.constant 3 : index
    %get3A_94 = arith.constant 0 : index
    %get3A_95 = arith.constant 0 : index
    %get3A_96 = vector.load %arg2[%get3A_92, %get3A_93, %get3A_94, %get3A_95] : memref<5x4x256x256xf32, #tpu.memory_space<vmem>>, vector<1x1x256x256xf32>
    %get3A_97 = vector.shape_cast %get3A_96 : vector<1x1x256x256xf32> to vector<256x256xf32>
    %convert_element_type3A_98 = arith.truncf %get3A_97 : vector<256x256xf32> to vector<256x256xbf16>
    %convert_element_type3A_99 = arith.truncf %max3A_48 : vector<256x1024xf32> to vector<256x1024xbf16>
    %dot_general3A_100 = arith.constant dense<0.000000e+00> : vector<256x1024xf32>
    %dot_general3A_101 = tpu.matmul %convert_element_type3A_98, %convert_element_type3A_99, %dot_general3A_100 {dimension_numbers = #tpu.dot_dimension_numbers<[0], [0], [1], [1], [0, 1, 1, 1], [], []>, transpose_lhs_hint = false} : vector<256x256xbf16>, vector<256x1024xbf16>, vector<256x1024xf32> -> vector<256x1024xf32>
    %slice3A_102 = vector.extract_strided_slice %dot_general3A_101 {offsets = [0, 1], sizes = [256, 1023], strides = [1, 1]} : vector<256x1024xf32> to vector<256x1023xf32>
    %broadcast_in_dim3A_103 = arith.constant 0.000000e+00 : f32
    %broadcast_in_dim3A_104 = vector.broadcast %broadcast_in_dim3A_103 : f32 to vector<256x1xf32>
    %concatenate3A_105 = tpu.concatenate %slice3A_102, %broadcast_in_dim3A_104 in 1 : vector<256x1023xf32>, vector<256x1xf32> -> vector<256x1024xf32>
    %add3A_106 = arith.addf %dot_general3A_91, %concatenate3A_105 : vector<256x1024xf32>
    %get3A_107 = arith.constant 1024 : index
    %get3A_108 = arith.constant 0 : index
    %get3A_109 = vector.load %arg5[%get3A_107, %get3A_108] : memref<1928x1xf32, #tpu.memory_space<vmem>>, vector<256x1xf32>
    %add3A_110 = vector.broadcast %get3A_109 : vector<256x1xf32> to vector<256x1024xf32>
    %add3A_111 = arith.addf %add3A_106, %add3A_110 : vector<256x1024xf32>
    %max3A_112 = arith.constant 0.000000e+00 : f32
    %max3A_113 = vector.broadcast %max3A_112 : f32 to vector<256x1024xf32>
    %max3A_114 = arith.maximumf %add3A_111, %max3A_113 : vector<256x1024xf32>
    %get3A_115 = arith.constant 3 : index
    %get3A_116 = arith.constant 0 : index
    %get3A_117 = arith.constant 0 : index
    %get3A_118 = arith.constant 0 : index
    %get3A_119 = vector.load %arg2[%get3A_115, %get3A_116, %get3A_117, %get3A_118] : memref<5x4x256x256xf32, #tpu.memory_space<vmem>>, vector<1x1x256x256xf32>
    %get3A_120 = vector.shape_cast %get3A_119 : vector<1x1x256x256xf32> to vector<256x256xf32>
    %convert_element_type3A_121 = arith.truncf %get3A_120 : vector<256x256xf32> to vector<256x256xbf16>
    %convert_element_type3A_122 = arith.truncf %max3A_81 : vector<256x1024xf32> to vector<256x1024xbf16>
    %dot_general3A_123 = arith.constant dense<0.000000e+00> : vector<256x1024xf32>
    %dot_general3A_124 = tpu.matmul %convert_element_type3A_121, %convert_element_type3A_122, %dot_general3A_123 {dimension_numbers = #tpu.dot_dimension_numbers<[0], [0], [1], [1], [0, 1, 1, 1], [], []>, transpose_lhs_hint = false} : vector<256x256xbf16>, vector<256x1024xbf16>, vector<256x1024xf32> -> vector<256x1024xf32>
    %get3A_125 = arith.constant 3 : index
    %get3A_126 = arith.constant 1 : index
    %get3A_127 = arith.constant 0 : index
    %get3A_128 = arith.constant 0 : index
    %get3A_129 = vector.load %arg2[%get3A_125, %get3A_126, %get3A_127, %get3A_128] : memref<5x4x256x256xf32, #tpu.memory_space<vmem>>, vector<1x1x256x256xf32>
    %get3A_130 = vector.shape_cast %get3A_129 : vector<1x1x256x256xf32> to vector<256x256xf32>
    %convert_element_type3A_131 = arith.truncf %get3A_130 : vector<256x256xf32> to vector<256x256xbf16>
    %convert_element_type3A_132 = arith.truncf %max3A_81 : vector<256x1024xf32> to vector<256x1024xbf16>
    %dot_general3A_133 = arith.constant dense<0.000000e+00> : vector<256x1024xf32>
    %dot_general3A_134 = tpu.matmul %convert_element_type3A_131, %convert_element_type3A_132, %dot_general3A_133 {dimension_numbers = #tpu.dot_dimension_numbers<[0], [0], [1], [1], [0, 1, 1, 1], [], []>, transpose_lhs_hint = false} : vector<256x256xbf16>, vector<256x1024xbf16>, vector<256x1024xf32> -> vector<256x1024xf32>
    %get3A_135 = arith.constant 3 : index
    %get3A_136 = arith.constant 2 : index
    %get3A_137 = arith.constant 0 : index
    %get3A_138 = arith.constant 0 : index
    %get3A_139 = vector.load %arg2[%get3A_135, %get3A_136, %get3A_137, %get3A_138] : memref<5x4x256x256xf32, #tpu.memory_space<vmem>>, vector<1x1x256x256xf32>
    %get3A_140 = vector.shape_cast %get3A_139 : vector<1x1x256x256xf32> to vector<256x256xf32>
    %convert_element_type3A_141 = arith.truncf %get3A_140 : vector<256x256xf32> to vector<256x256xbf16>
    %convert_element_type3A_142 = arith.truncf %max3A_81 : vector<256x1024xf32> to vector<256x1024xbf16>
    %dot_general3A_143 = arith.constant dense<0.000000e+00> : vector<256x1024xf32>
    %dot_general3A_144 = tpu.matmul %convert_element_type3A_141, %convert_element_type3A_142, %dot_general3A_143 {dimension_numbers = #tpu.dot_dimension_numbers<[0], [0], [1], [1], [0, 1, 1, 1], [], []>, transpose_lhs_hint = false} : vector<256x256xbf16>, vector<256x1024xbf16>, vector<256x1024xf32> -> vector<256x1024xf32>
    %get3A_145 = arith.constant 3 : index
    %get3A_146 = arith.constant 3 : index
    %get3A_147 = arith.constant 0 : index
    %get3A_148 = arith.constant 0 : index
    %get3A_149 = vector.load %arg2[%get3A_145, %get3A_146, %get3A_147, %get3A_148] : memref<5x4x256x256xf32, #tpu.memory_space<vmem>>, vector<1x1x256x256xf32>
    %get3A_150 = vector.shape_cast %get3A_149 : vector<1x1x256x256xf32> to vector<256x256xf32>
    %convert_element_type3A_151 = arith.truncf %get3A_150 : vector<256x256xf32> to vector<256x256xbf16>
    %convert_element_type3A_152 = arith.truncf %max3A_81 : vector<256x1024xf32> to vector<256x1024xbf16>
    %dot_general3A_153 = arith.constant dense<0.000000e+00> : vector<256x1024xf32>
    %dot_general3A_154 = tpu.matmul %convert_element_type3A_151, %convert_element_type3A_152, %dot_general3A_153 {dimension_numbers = #tpu.dot_dimension_numbers<[0], [0], [1], [1], [0, 1, 1, 1], [], []>, transpose_lhs_hint = false} : vector<256x256xbf16>, vector<256x1024xbf16>, vector<256x1024xf32> -> vector<256x1024xf32>
    %get3A_155 = arith.constant 3 : index
    %get3A_156 = arith.constant 0 : index
    %get3A_157 = arith.constant 0 : index
    %get3A_158 = arith.constant 0 : index
    %get3A_159 = vector.load %arg2[%get3A_155, %get3A_156, %get3A_157, %get3A_158] : memref<5x4x256x256xf32, #tpu.memory_space<vmem>>, vector<1x1x256x256xf32>
    %get3A_160 = vector.shape_cast %get3A_159 : vector<1x1x256x256xf32> to vector<256x256xf32>
    %convert_element_type3A_161 = arith.truncf %get3A_160 : vector<256x256xf32> to vector<256x256xbf16>
    %convert_element_type3A_162 = arith.truncf %max3A_114 : vector<256x1024xf32> to vector<256x1024xbf16>
    %dot_general3A_163 = arith.constant dense<0.000000e+00> : vector<256x1024xf32>
    %dot_general3A_164 = tpu.matmul %convert_element_type3A_161, %convert_element_type3A_162, %dot_general3A_163 {dimension_numbers = #tpu.dot_dimension_numbers<[0], [0], [1], [1], [0, 1, 1, 1], [], []>, transpose_lhs_hint = false} : vector<256x256xbf16>, vector<256x1024xbf16>, vector<256x1024xf32> -> vector<256x1024xf32>
    %get3A_165 = arith.constant 3 : index
    %get3A_166 = arith.constant 1 : index
    %get3A_167 = arith.constant 0 : index
    %get3A_168 = arith.constant 0 : index
    %get3A_169 = vector.load %arg2[%get3A_165, %get3A_166, %get3A_167, %get3A_168] : memref<5x4x256x256xf32, #tpu.memory_space<vmem>>, vector<1x1x256x256xf32>
    %get3A_170 = vector.shape_cast %get3A_169 : vector<1x1x256x256xf32> to vector<256x256xf32>
    %convert_element_type3A_171 = arith.truncf %get3A_170 : vector<256x256xf32> to vector<256x256xbf16>
    %convert_element_type3A_172 = arith.truncf %max3A_114 : vector<256x1024xf32> to vector<256x1024xbf16>
    %dot_general3A_173 = arith.constant dense<0.000000e+00> : vector<256x1024xf32>
    %dot_general3A_174 = tpu.matmul %convert_element_type3A_171, %convert_element_type3A_172, %dot_general3A_173 {dimension_numbers = #tpu.dot_dimension_numbers<[0], [0], [1], [1], [0, 1, 1, 1], [], []>, transpose_lhs_hint = false} : vector<256x256xbf16>, vector<256x1024xbf16>, vector<256x1024xf32> -> vector<256x1024xf32>
    %get3A_175 = arith.constant 3 : index
    %get3A_176 = arith.constant 2 : index
    %get3A_177 = arith.constant 0 : index
    %get3A_178 = arith.constant 0 : index
    %get3A_179 = vector.load %arg2[%get3A_175, %get3A_176, %get3A_177, %get3A_178] : memref<5x4x256x256xf32, #tpu.memory_space<vmem>>, vector<1x1x256x256xf32>
    %get3A_180 = vector.shape_cast %get3A_179 : vector<1x1x256x256xf32> to vector<256x256xf32>
    %convert_element_type3A_181 = arith.truncf %get3A_180 : vector<256x256xf32> to vector<256x256xbf16>
    %convert_element_type3A_182 = arith.truncf %max3A_114 : vector<256x1024xf32> to vector<256x1024xbf16>
    %dot_general3A_183 = arith.constant dense<0.000000e+00> : vector<256x1024xf32>
    %dot_general3A_184 = tpu.matmul %convert_element_type3A_181, %convert_element_type3A_182, %dot_general3A_183 {dimension_numbers = #tpu.dot_dimension_numbers<[0], [0], [1], [1], [0, 1, 1, 1], [], []>, transpose_lhs_hint = false} : vector<256x256xbf16>, vector<256x1024xbf16>, vector<256x1024xf32> -> vector<256x1024xf32>
    %get3A_185 = arith.constant 3 : index
    %get3A_186 = arith.constant 3 : index
    %get3A_187 = arith.constant 0 : index
    %get3A_188 = arith.constant 0 : index
    %get3A_189 = vector.load %arg2[%get3A_185, %get3A_186, %get3A_187, %get3A_188] : memref<5x4x256x256xf32, #tpu.memory_space<vmem>>, vector<1x1x256x256xf32>
    %get3A_190 = vector.shape_cast %get3A_189 : vector<1x1x256x256xf32> to vector<256x256xf32>
    %convert_element_type3A_191 = arith.truncf %get3A_190 : vector<256x256xf32> to vector<256x256xbf16>
    %convert_element_type3A_192 = arith.truncf %max3A_114 : vector<256x1024xf32> to vector<256x1024xbf16>
    %dot_general3A_193 = arith.constant dense<0.000000e+00> : vector<256x1024xf32>
    %dot_general3A_194 = tpu.matmul %convert_element_type3A_191, %convert_element_type3A_192, %dot_general3A_193 {dimension_numbers = #tpu.dot_dimension_numbers<[0], [0], [1], [1], [0, 1, 1, 1], [], []>, transpose_lhs_hint = false} : vector<256x256xbf16>, vector<256x1024xbf16>, vector<256x1024xf32> -> vector<256x1024xf32>
    %broadcast_in_dim3A_195 = arith.constant 0.000000e+00 : f32
    %broadcast_in_dim3A_196 = vector.broadcast %broadcast_in_dim3A_195 : f32 to vector<256x1xf32>
    %slice3A_197 = vector.extract_strided_slice %dot_general3A_164 {offsets = [0, 0], sizes = [256, 1023], strides = [1, 1]} : vector<256x1024xf32> to vector<256x1023xf32>
    %concatenate3A_198 = tpu.concatenate %broadcast_in_dim3A_196, %slice3A_197 in 1 : vector<256x1xf32>, vector<256x1023xf32> -> vector<256x1024xf32>
    %add3A_199 = arith.addf %concatenate3A_198, %dot_general3A_144 : vector<256x1024xf32>
    %get3A_200 = arith.constant 1280 : index
    %get3A_201 = arith.constant 0 : index
    %get3A_202 = vector.load %arg5[%get3A_200, %get3A_201] : memref<1928x1xf32, #tpu.memory_space<vmem>>, vector<256x1xf32>
    %add3A_203 = vector.broadcast %get3A_202 : vector<256x1xf32> to vector<256x1024xf32>
    %add3A_204 = arith.addf %add3A_199, %add3A_203 : vector<256x1024xf32>
    %max3A_205 = arith.constant 0.000000e+00 : f32
    %max3A_206 = vector.broadcast %max3A_205 : f32 to vector<256x1024xf32>
    %max3A_207 = arith.maximumf %add3A_204, %max3A_206 : vector<256x1024xf32>
    %add3A_208 = arith.addf %dot_general3A_134, %dot_general3A_194 : vector<256x1024xf32>
    %get3A_209 = arith.constant 1280 : index
    %get3A_210 = arith.constant 0 : index
    %get3A_211 = vector.load %arg5[%get3A_209, %get3A_210] : memref<1928x1xf32, #tpu.memory_space<vmem>>, vector<256x1xf32>
    %add3A_212 = vector.broadcast %get3A_211 : vector<256x1xf32> to vector<256x1024xf32>
    %add3A_213 = arith.addf %add3A_208, %add3A_212 : vector<256x1024xf32>
    %max3A_214 = arith.constant 0.000000e+00 : f32
    %max3A_215 = vector.broadcast %max3A_214 : f32 to vector<256x1024xf32>
    %max3A_216 = arith.maximumf %add3A_213, %max3A_215 : vector<256x1024xf32>
    %add3A_217 = arith.addf %dot_general3A_124, %dot_general3A_184 : vector<256x1024xf32>
    %get3A_218 = arith.constant 1280 : index
    %get3A_219 = arith.constant 0 : index
    %get3A_220 = vector.load %arg5[%get3A_218, %get3A_219] : memref<1928x1xf32, #tpu.memory_space<vmem>>, vector<256x1xf32>
    %add3A_221 = vector.broadcast %get3A_220 : vector<256x1xf32> to vector<256x1024xf32>
    %add3A_222 = arith.addf %add3A_217, %add3A_221 : vector<256x1024xf32>
    %max3A_223 = arith.constant 0.000000e+00 : f32
    %max3A_224 = vector.broadcast %max3A_223 : f32 to vector<256x1024xf32>
    %max3A_225 = arith.maximumf %add3A_222, %max3A_224 : vector<256x1024xf32>
    %slice3A_226 = vector.extract_strided_slice %dot_general3A_154 {offsets = [0, 1], sizes = [256, 1023], strides = [1, 1]} : vector<256x1024xf32> to vector<256x1023xf32>
    %broadcast_in_dim3A_227 = arith.constant 0.000000e+00 : f32
    %broadcast_in_dim3A_228 = vector.broadcast %broadcast_in_dim3A_227 : f32 to vector<256x1xf32>
    %concatenate3A_229 = tpu.concatenate %slice3A_226, %broadcast_in_dim3A_228 in 1 : vector<256x1023xf32>, vector<256x1xf32> -> vector<256x1024xf32>
    %add3A_230 = arith.addf %dot_general3A_174, %concatenate3A_229 : vector<256x1024xf32>
    %get3A_231 = arith.constant 1280 : index
    %get3A_232 = arith.constant 0 : index
    %get3A_233 = vector.load %arg5[%get3A_231, %get3A_232] : memref<1928x1xf32, #tpu.memory_space<vmem>>, vector<256x1xf32>
    %add3A_234 = vector.broadcast %get3A_233 : vector<256x1xf32> to vector<256x1024xf32>
    %add3A_235 = arith.addf %add3A_230, %add3A_234 : vector<256x1024xf32>
    %max3A_236 = arith.constant 0.000000e+00 : f32
    %max3A_237 = vector.broadcast %max3A_236 : f32 to vector<256x1024xf32>
    %max3A_238 = arith.maximumf %add3A_235, %max3A_237 : vector<256x1024xf32>
    %get3A_239 = arith.constant 4 : index
    %get3A_240 = arith.constant 0 : index
    %get3A_241 = arith.constant 0 : index
    %get3A_242 = arith.constant 0 : index
    %get3A_243 = vector.load %arg2[%get3A_239, %get3A_240, %get3A_241, %get3A_242] : memref<5x4x256x256xf32, #tpu.memory_space<vmem>>, vector<1x1x256x256xf32>
    %get3A_244 = vector.shape_cast %get3A_243 : vector<1x1x256x256xf32> to vector<256x256xf32>
    %convert_element_type3A_245 = arith.truncf %get3A_244 : vector<256x256xf32> to vector<256x256xbf16>
    %convert_element_type3A_246 = arith.truncf %max3A_207 : vector<256x1024xf32> to vector<256x1024xbf16>
    %dot_general3A_247 = arith.constant dense<0.000000e+00> : vector<256x1024xf32>
    %dot_general3A_248 = tpu.matmul %convert_element_type3A_245, %convert_element_type3A_246, %dot_general3A_247 {dimension_numbers = #tpu.dot_dimension_numbers<[0], [0], [1], [1], [0, 1, 1, 1], [], []>, transpose_lhs_hint = false} : vector<256x256xbf16>, vector<256x1024xbf16>, vector<256x1024xf32> -> vector<256x1024xf32>
    %get3A_249 = arith.constant 4 : index
    %get3A_250 = arith.constant 1 : index
    %get3A_251 = arith.constant 0 : index
    %get3A_252 = arith.constant 0 : index
    %get3A_253 = vector.load %arg2[%get3A_249, %get3A_250, %get3A_251, %get3A_252] : memref<5x4x256x256xf32, #tpu.memory_space<vmem>>, vector<1x1x256x256xf32>
    %get3A_254 = vector.shape_cast %get3A_253 : vector<1x1x256x256xf32> to vector<256x256xf32>
    %convert_element_type3A_255 = arith.truncf %get3A_254 : vector<256x256xf32> to vector<256x256xbf16>
    %convert_element_type3A_256 = arith.truncf %max3A_207 : vector<256x1024xf32> to vector<256x1024xbf16>
    %dot_general3A_257 = arith.constant dense<0.000000e+00> : vector<256x1024xf32>
    %dot_general3A_258 = tpu.matmul %convert_element_type3A_255, %convert_element_type3A_256, %dot_general3A_257 {dimension_numbers = #tpu.dot_dimension_numbers<[0], [0], [1], [1], [0, 1, 1, 1], [], []>, transpose_lhs_hint = false} : vector<256x256xbf16>, vector<256x1024xbf16>, vector<256x1024xf32> -> vector<256x1024xf32>
    %get3A_259 = arith.constant 4 : index
    %get3A_260 = arith.constant 2 : index
    %get3A_261 = arith.constant 0 : index
    %get3A_262 = arith.constant 0 : index
    %get3A_263 = vector.load %arg2[%get3A_259, %get3A_260, %get3A_261, %get3A_262] : memref<5x4x256x256xf32, #tpu.memory_space<vmem>>, vector<1x1x256x256xf32>
    %get3A_264 = vector.shape_cast %get3A_263 : vector<1x1x256x256xf32> to vector<256x256xf32>
    %convert_element_type3A_265 = arith.truncf %get3A_264 : vector<256x256xf32> to vector<256x256xbf16>
    %convert_element_type3A_266 = arith.truncf %max3A_207 : vector<256x1024xf32> to vector<256x1024xbf16>
    %dot_general3A_267 = arith.constant dense<0.000000e+00> : vector<256x1024xf32>
    %dot_general3A_268 = tpu.matmul %convert_element_type3A_265, %convert_element_type3A_266, %dot_general3A_267 {dimension_numbers = #tpu.dot_dimension_numbers<[0], [0], [1], [1], [0, 1, 1, 1], [], []>, transpose_lhs_hint = false} : vector<256x256xbf16>, vector<256x1024xbf16>, vector<256x1024xf32> -> vector<256x1024xf32>
    %get3A_269 = arith.constant 4 : index
    %get3A_270 = arith.constant 3 : index
    %get3A_271 = arith.constant 0 : index
    %get3A_272 = arith.constant 0 : index
    %get3A_273 = vector.load %arg2[%get3A_269, %get3A_270, %get3A_271, %get3A_272] : memref<5x4x256x256xf32, #tpu.memory_space<vmem>>, vector<1x1x256x256xf32>
    %get3A_274 = vector.shape_cast %get3A_273 : vector<1x1x256x256xf32> to vector<256x256xf32>
    %convert_element_type3A_275 = arith.truncf %get3A_274 : vector<256x256xf32> to vector<256x256xbf16>
    %convert_element_type3A_276 = arith.truncf %max3A_207 : vector<256x1024xf32> to vector<256x1024xbf16>
    %dot_general3A_277 = arith.constant dense<0.000000e+00> : vector<256x1024xf32>
    %dot_general3A_278 = tpu.matmul %convert_element_type3A_275, %convert_element_type3A_276, %dot_general3A_277 {dimension_numbers = #tpu.dot_dimension_numbers<[0], [0], [1], [1], [0, 1, 1, 1], [], []>, transpose_lhs_hint = false} : vector<256x256xbf16>, vector<256x1024xbf16>, vector<256x1024xf32> -> vector<256x1024xf32>
    %get3A_279 = arith.constant 4 : index
    %get3A_280 = arith.constant 0 : index
    %get3A_281 = arith.constant 0 : index
    %get3A_282 = arith.constant 0 : index
    %get3A_283 = vector.load %arg2[%get3A_279, %get3A_280, %get3A_281, %get3A_282] : memref<5x4x256x256xf32, #tpu.memory_space<vmem>>, vector<1x1x256x256xf32>
    %get3A_284 = vector.shape_cast %get3A_283 : vector<1x1x256x256xf32> to vector<256x256xf32>
    %convert_element_type3A_285 = arith.truncf %get3A_284 : vector<256x256xf32> to vector<256x256xbf16>
    %convert_element_type3A_286 = arith.truncf %max3A_216 : vector<256x1024xf32> to vector<256x1024xbf16>
    %dot_general3A_287 = arith.constant dense<0.000000e+00> : vector<256x1024xf32>
    %dot_general3A_288 = tpu.matmul %convert_element_type3A_285, %convert_element_type3A_286, %dot_general3A_287 {dimension_numbers = #tpu.dot_dimension_numbers<[0], [0], [1], [1], [0, 1, 1, 1], [], []>, transpose_lhs_hint = false} : vector<256x256xbf16>, vector<256x1024xbf16>, vector<256x1024xf32> -> vector<256x1024xf32>
    %get3A_289 = arith.constant 4 : index
    %get3A_290 = arith.constant 1 : index
    %get3A_291 = arith.constant 0 : index
    %get3A_292 = arith.constant 0 : index
    %get3A_293 = vector.load %arg2[%get3A_289, %get3A_290, %get3A_291, %get3A_292] : memref<5x4x256x256xf32, #tpu.memory_space<vmem>>, vector<1x1x256x256xf32>
    %get3A_294 = vector.shape_cast %get3A_293 : vector<1x1x256x256xf32> to vector<256x256xf32>
    %convert_element_type3A_295 = arith.truncf %get3A_294 : vector<256x256xf32> to vector<256x256xbf16>
    %convert_element_type3A_296 = arith.truncf %max3A_216 : vector<256x1024xf32> to vector<256x1024xbf16>
    %dot_general3A_297 = arith.constant dense<0.000000e+00> : vector<256x1024xf32>
    %dot_general3A_298 = tpu.matmul %convert_element_type3A_295, %convert_element_type3A_296, %dot_general3A_297 {dimension_numbers = #tpu.dot_dimension_numbers<[0], [0], [1], [1], [0, 1, 1, 1], [], []>, transpose_lhs_hint = false} : vector<256x256xbf16>, vector<256x1024xbf16>, vector<256x1024xf32> -> vector<256x1024xf32>
    %get3A_299 = arith.constant 4 : index
    %get3A_300 = arith.constant 2 : index
    %get3A_301 = arith.constant 0 : index
    %get3A_302 = arith.constant 0 : index
    %get3A_303 = vector.load %arg2[%get3A_299, %get3A_300, %get3A_301, %get3A_302] : memref<5x4x256x256xf32, #tpu.memory_space<vmem>>, vector<1x1x256x256xf32>
    %get3A_304 = vector.shape_cast %get3A_303 : vector<1x1x256x256xf32> to vector<256x256xf32>
    %convert_element_type3A_305 = arith.truncf %get3A_304 : vector<256x256xf32> to vector<256x256xbf16>
    %convert_element_type3A_306 = arith.truncf %max3A_216 : vector<256x1024xf32> to vector<256x1024xbf16>
    %dot_general3A_307 = arith.constant dense<0.000000e+00> : vector<256x1024xf32>
    %dot_general3A_308 = tpu.matmul %convert_element_type3A_305, %convert_element_type3A_306, %dot_general3A_307 {dimension_numbers = #tpu.dot_dimension_numbers<[0], [0], [1], [1], [0, 1, 1, 1], [], []>, transpose_lhs_hint = false} : vector<256x256xbf16>, vector<256x1024xbf16>, vector<256x1024xf32> -> vector<256x1024xf32>
    %get3A_309 = arith.constant 4 : index
    %get3A_310 = arith.constant 3 : index
    %get3A_311 = arith.constant 0 : index
    %get3A_312 = arith.constant 0 : index
    %get3A_313 = vector.load %arg2[%get3A_309, %get3A_310, %get3A_311, %get3A_312] : memref<5x4x256x256xf32, #tpu.memory_space<vmem>>, vector<1x1x256x256xf32>
    %get3A_314 = vector.shape_cast %get3A_313 : vector<1x1x256x256xf32> to vector<256x256xf32>
    %convert_element_type3A_315 = arith.truncf %get3A_314 : vector<256x256xf32> to vector<256x256xbf16>
    %convert_element_type3A_316 = arith.truncf %max3A_216 : vector<256x1024xf32> to vector<256x1024xbf16>
    %dot_general3A_317 = arith.constant dense<0.000000e+00> : vector<256x1024xf32>
    %dot_general3A_318 = tpu.matmul %convert_element_type3A_315, %convert_element_type3A_316, %dot_general3A_317 {dimension_numbers = #tpu.dot_dimension_numbers<[0], [0], [1], [1], [0, 1, 1, 1], [], []>, transpose_lhs_hint = false} : vector<256x256xbf16>, vector<256x1024xbf16>, vector<256x1024xf32> -> vector<256x1024xf32>
    %get3A_319 = arith.constant 4 : index
    %get3A_320 = arith.constant 0 : index
    %get3A_321 = arith.constant 0 : index
    %get3A_322 = arith.constant 0 : index
    %get3A_323 = vector.load %arg2[%get3A_319, %get3A_320, %get3A_321, %get3A_322] : memref<5x4x256x256xf32, #tpu.memory_space<vmem>>, vector<1x1x256x256xf32>
    %get3A_324 = vector.shape_cast %get3A_323 : vector<1x1x256x256xf32> to vector<256x256xf32>
    %convert_element_type3A_325 = arith.truncf %get3A_324 : vector<256x256xf32> to vector<256x256xbf16>
    %convert_element_type3A_326 = arith.truncf %max3A_225 : vector<256x1024xf32> to vector<256x1024xbf16>
    %dot_general3A_327 = arith.constant dense<0.000000e+00> : vector<256x1024xf32>
    %dot_general3A_328 = tpu.matmul %convert_element_type3A_325, %convert_element_type3A_326, %dot_general3A_327 {dimension_numbers = #tpu.dot_dimension_numbers<[0], [0], [1], [1], [0, 1, 1, 1], [], []>, transpose_lhs_hint = false} : vector<256x256xbf16>, vector<256x1024xbf16>, vector<256x1024xf32> -> vector<256x1024xf32>
    %get3A_329 = arith.constant 4 : index
    %get3A_330 = arith.constant 1 : index
    %get3A_331 = arith.constant 0 : index
    %get3A_332 = arith.constant 0 : index
    %get3A_333 = vector.load %arg2[%get3A_329, %get3A_330, %get3A_331, %get3A_332] : memref<5x4x256x256xf32, #tpu.memory_space<vmem>>, vector<1x1x256x256xf32>
    %get3A_334 = vector.shape_cast %get3A_333 : vector<1x1x256x256xf32> to vector<256x256xf32>
    %convert_element_type3A_335 = arith.truncf %get3A_334 : vector<256x256xf32> to vector<256x256xbf16>
    %convert_element_type3A_336 = arith.truncf %max3A_225 : vector<256x1024xf32> to vector<256x1024xbf16>
    %dot_general3A_337 = arith.constant dense<0.000000e+00> : vector<256x1024xf32>
    %dot_general3A_338 = tpu.matmul %convert_element_type3A_335, %convert_element_type3A_336, %dot_general3A_337 {dimension_numbers = #tpu.dot_dimension_numbers<[0], [0], [1], [1], [0, 1, 1, 1], [], []>, transpose_lhs_hint = false} : vector<256x256xbf16>, vector<256x1024xbf16>, vector<256x1024xf32> -> vector<256x1024xf32>
    %get3A_339 = arith.constant 4 : index
    %get3A_340 = arith.constant 2 : index
    %get3A_341 = arith.constant 0 : index
    %get3A_342 = arith.constant 0 : index
    %get3A_343 = vector.load %arg2[%get3A_339, %get3A_340, %get3A_341, %get3A_342] : memref<5x4x256x256xf32, #tpu.memory_space<vmem>>, vector<1x1x256x256xf32>
    %get3A_344 = vector.shape_cast %get3A_343 : vector<1x1x256x256xf32> to vector<256x256xf32>
    %convert_element_type3A_345 = arith.truncf %get3A_344 : vector<256x256xf32> to vector<256x256xbf16>
    %convert_element_type3A_346 = arith.truncf %max3A_225 : vector<256x1024xf32> to vector<256x1024xbf16>
    %dot_general3A_347 = arith.constant dense<0.000000e+00> : vector<256x1024xf32>
    %dot_general3A_348 = tpu.matmul %convert_element_type3A_345, %convert_element_type3A_346, %dot_general3A_347 {dimension_numbers = #tpu.dot_dimension_numbers<[0], [0], [1], [1], [0, 1, 1, 1], [], []>, transpose_lhs_hint = false} : vector<256x256xbf16>, vector<256x1024xbf16>, vector<256x1024xf32> -> vector<256x1024xf32>
    %get3A_349 = arith.constant 4 : index
    %get3A_350 = arith.constant 3 : index
    %get3A_351 = arith.constant 0 : index
    %get3A_352 = arith.constant 0 : index
    %get3A_353 = vector.load %arg2[%get3A_349, %get3A_350, %get3A_351, %get3A_352] : memref<5x4x256x256xf32, #tpu.memory_space<vmem>>, vector<1x1x256x256xf32>
    %get3A_354 = vector.shape_cast %get3A_353 : vector<1x1x256x256xf32> to vector<256x256xf32>
    %convert_element_type3A_355 = arith.truncf %get3A_354 : vector<256x256xf32> to vector<256x256xbf16>
    %convert_element_type3A_356 = arith.truncf %max3A_225 : vector<256x1024xf32> to vector<256x1024xbf16>
    %dot_general3A_357 = arith.constant dense<0.000000e+00> : vector<256x1024xf32>
    %dot_general3A_358 = tpu.matmul %convert_element_type3A_355, %convert_element_type3A_356, %dot_general3A_357 {dimension_numbers = #tpu.dot_dimension_numbers<[0], [0], [1], [1], [0, 1, 1, 1], [], []>, transpose_lhs_hint = false} : vector<256x256xbf16>, vector<256x1024xbf16>, vector<256x1024xf32> -> vector<256x1024xf32>
    %get3A_359 = arith.constant 4 : index
    %get3A_360 = arith.constant 0 : index
    %get3A_361 = arith.constant 0 : index
    %get3A_362 = arith.constant 0 : index
    %get3A_363 = vector.load %arg2[%get3A_359, %get3A_360, %get3A_361, %get3A_362] : memref<5x4x256x256xf32, #tpu.memory_space<vmem>>, vector<1x1x256x256xf32>
    %get3A_364 = vector.shape_cast %get3A_363 : vector<1x1x256x256xf32> to vector<256x256xf32>
    %convert_element_type3A_365 = arith.truncf %get3A_364 : vector<256x256xf32> to vector<256x256xbf16>
    %convert_element_type3A_366 = arith.truncf %max3A_238 : vector<256x1024xf32> to vector<256x1024xbf16>
    %dot_general3A_367 = arith.constant dense<0.000000e+00> : vector<256x1024xf32>
    %dot_general3A_368 = tpu.matmul %convert_element_type3A_365, %convert_element_type3A_366, %dot_general3A_367 {dimension_numbers = #tpu.dot_dimension_numbers<[0], [0], [1], [1], [0, 1, 1, 1], [], []>, transpose_lhs_hint = false} : vector<256x256xbf16>, vector<256x1024xbf16>, vector<256x1024xf32> -> vector<256x1024xf32>
    %get3A_369 = arith.constant 4 : index
    %get3A_370 = arith.constant 1 : index
    %get3A_371 = arith.constant 0 : index
    %get3A_372 = arith.constant 0 : index
    %get3A_373 = vector.load %arg2[%get3A_369, %get3A_370, %get3A_371, %get3A_372] : memref<5x4x256x256xf32, #tpu.memory_space<vmem>>, vector<1x1x256x256xf32>
    %get3A_374 = vector.shape_cast %get3A_373 : vector<1x1x256x256xf32> to vector<256x256xf32>
    %convert_element_type3A_375 = arith.truncf %get3A_374 : vector<256x256xf32> to vector<256x256xbf16>
    %convert_element_type3A_376 = arith.truncf %max3A_238 : vector<256x1024xf32> to vector<256x1024xbf16>
    %dot_general3A_377 = arith.constant dense<0.000000e+00> : vector<256x1024xf32>
    %dot_general3A_378 = tpu.matmul %convert_element_type3A_375, %convert_element_type3A_376, %dot_general3A_377 {dimension_numbers = #tpu.dot_dimension_numbers<[0], [0], [1], [1], [0, 1, 1, 1], [], []>, transpose_lhs_hint = false} : vector<256x256xbf16>, vector<256x1024xbf16>, vector<256x1024xf32> -> vector<256x1024xf32>
    %get3A_379 = arith.constant 4 : index
    %get3A_380 = arith.constant 2 : index
    %get3A_381 = arith.constant 0 : index
    %get3A_382 = arith.constant 0 : index
    %get3A_383 = vector.load %arg2[%get3A_379, %get3A_380, %get3A_381, %get3A_382] : memref<5x4x256x256xf32, #tpu.memory_space<vmem>>, vector<1x1x256x256xf32>
    %get3A_384 = vector.shape_cast %get3A_383 : vector<1x1x256x256xf32> to vector<256x256xf32>
    %convert_element_type3A_385 = arith.truncf %get3A_384 : vector<256x256xf32> to vector<256x256xbf16>
    %convert_element_type3A_386 = arith.truncf %max3A_238 : vector<256x1024xf32> to vector<256x1024xbf16>
    %dot_general3A_387 = arith.constant dense<0.000000e+00> : vector<256x1024xf32>
    %dot_general3A_388 = tpu.matmul %convert_element_type3A_385, %convert_element_type3A_386, %dot_general3A_387 {dimension_numbers = #tpu.dot_dimension_numbers<[0], [0], [1], [1], [0, 1, 1, 1], [], []>, transpose_lhs_hint = false} : vector<256x256xbf16>, vector<256x1024xbf16>, vector<256x1024xf32> -> vector<256x1024xf32>
    %get3A_389 = arith.constant 4 : index
    %get3A_390 = arith.constant 3 : index
    %get3A_391 = arith.constant 0 : index
    %get3A_392 = arith.constant 0 : index
    %get3A_393 = vector.load %arg2[%get3A_389, %get3A_390, %get3A_391, %get3A_392] : memref<5x4x256x256xf32, #tpu.memory_space<vmem>>, vector<1x1x256x256xf32>
    %get3A_394 = vector.shape_cast %get3A_393 : vector<1x1x256x256xf32> to vector<256x256xf32>
    %convert_element_type3A_395 = arith.truncf %get3A_394 : vector<256x256xf32> to vector<256x256xbf16>
    %convert_element_type3A_396 = arith.truncf %max3A_238 : vector<256x1024xf32> to vector<256x1024xbf16>
    %dot_general3A_397 = arith.constant dense<0.000000e+00> : vector<256x1024xf32>
    %dot_general3A_398 = tpu.matmul %convert_element_type3A_395, %convert_element_type3A_396, %dot_general3A_397 {dimension_numbers = #tpu.dot_dimension_numbers<[0], [0], [1], [1], [0, 1, 1, 1], [], []>, transpose_lhs_hint = false} : vector<256x256xbf16>, vector<256x1024xbf16>, vector<256x1024xf32> -> vector<256x1024xf32>
    %broadcast_in_dim3A_399 = arith.constant 0.000000e+00 : f32
    %broadcast_in_dim3A_400 = vector.broadcast %broadcast_in_dim3A_399 : f32 to vector<256x1xf32>
    %slice3A_401 = vector.extract_strided_slice %dot_general3A_368 {offsets = [0, 0], sizes = [256, 1023], strides = [1, 1]} : vector<256x1024xf32> to vector<256x1023xf32>
    %concatenate3A_402 = tpu.concatenate %broadcast_in_dim3A_400, %slice3A_401 in 1 : vector<256x1xf32>, vector<256x1023xf32> -> vector<256x1024xf32>
    %add3A_403 = arith.addf %concatenate3A_402, %dot_general3A_268 : vector<256x1024xf32>
    %get3A_404 = arith.constant 1536 : index
    %get3A_405 = arith.constant 0 : index
    %get3A_406 = vector.load %arg5[%get3A_404, %get3A_405] : memref<1928x1xf32, #tpu.memory_space<vmem>>, vector<256x1xf32>
    %add3A_407 = vector.broadcast %get3A_406 : vector<256x1xf32> to vector<256x1024xf32>
    %add3A_408 = arith.addf %add3A_403, %add3A_407 : vector<256x1024xf32>
    %max3A_409 = arith.constant 0.000000e+00 : f32
    %max3A_410 = vector.broadcast %max3A_409 : f32 to vector<256x1024xf32>
    %max3A_411 = arith.maximumf %add3A_408, %max3A_410 : vector<256x1024xf32>
    %add3A_412 = arith.addf %dot_general3A_258, %dot_general3A_318 : vector<256x1024xf32>
    %get3A_413 = arith.constant 1536 : index
    %get3A_414 = arith.constant 0 : index
    %get3A_415 = vector.load %arg5[%get3A_413, %get3A_414] : memref<1928x1xf32, #tpu.memory_space<vmem>>, vector<256x1xf32>
    %add3A_416 = vector.broadcast %get3A_415 : vector<256x1xf32> to vector<256x1024xf32>
    %add3A_417 = arith.addf %add3A_412, %add3A_416 : vector<256x1024xf32>
    %max3A_418 = arith.constant 0.000000e+00 : f32
    %max3A_419 = vector.broadcast %max3A_418 : f32 to vector<256x1024xf32>
    %max3A_420 = arith.maximumf %add3A_417, %max3A_419 : vector<256x1024xf32>
    %add3A_421 = arith.addf %dot_general3A_248, %dot_general3A_308 : vector<256x1024xf32>
    %get3A_422 = arith.constant 1536 : index
    %get3A_423 = arith.constant 0 : index
    %get3A_424 = vector.load %arg5[%get3A_422, %get3A_423] : memref<1928x1xf32, #tpu.memory_space<vmem>>, vector<256x1xf32>
    %add3A_425 = vector.broadcast %get3A_424 : vector<256x1xf32> to vector<256x1024xf32>
    %add3A_426 = arith.addf %add3A_421, %add3A_425 : vector<256x1024xf32>
    %max3A_427 = arith.constant 0.000000e+00 : f32
    %max3A_428 = vector.broadcast %max3A_427 : f32 to vector<256x1024xf32>
    %max3A_429 = arith.maximumf %add3A_426, %max3A_428 : vector<256x1024xf32>
    %add3A_430 = arith.addf %dot_general3A_298, %dot_general3A_358 : vector<256x1024xf32>
    %get3A_431 = arith.constant 1536 : index
    %get3A_432 = arith.constant 0 : index
    %get3A_433 = vector.load %arg5[%get3A_431, %get3A_432] : memref<1928x1xf32, #tpu.memory_space<vmem>>, vector<256x1xf32>
    %add3A_434 = vector.broadcast %get3A_433 : vector<256x1xf32> to vector<256x1024xf32>
    %add3A_435 = arith.addf %add3A_430, %add3A_434 : vector<256x1024xf32>
    %max3A_436 = arith.constant 0.000000e+00 : f32
    %max3A_437 = vector.broadcast %max3A_436 : f32 to vector<256x1024xf32>
    %max3A_438 = arith.maximumf %add3A_435, %max3A_437 : vector<256x1024xf32>
    %add3A_439 = arith.addf %dot_general3A_288, %dot_general3A_348 : vector<256x1024xf32>
    %get3A_440 = arith.constant 1536 : index
    %get3A_441 = arith.constant 0 : index
    %get3A_442 = vector.load %arg5[%get3A_440, %get3A_441] : memref<1928x1xf32, #tpu.memory_space<vmem>>, vector<256x1xf32>
    %add3A_443 = vector.broadcast %get3A_442 : vector<256x1xf32> to vector<256x1024xf32>
    %add3A_444 = arith.addf %add3A_439, %add3A_443 : vector<256x1024xf32>
    %max3A_445 = arith.constant 0.000000e+00 : f32
    %max3A_446 = vector.broadcast %max3A_445 : f32 to vector<256x1024xf32>
    %max3A_447 = arith.maximumf %add3A_444, %max3A_446 : vector<256x1024xf32>
    %add3A_448 = arith.addf %dot_general3A_338, %dot_general3A_398 : vector<256x1024xf32>
    %get3A_449 = arith.constant 1536 : index
    %get3A_450 = arith.constant 0 : index
    %get3A_451 = vector.load %arg5[%get3A_449, %get3A_450] : memref<1928x1xf32, #tpu.memory_space<vmem>>, vector<256x1xf32>
    %add3A_452 = vector.broadcast %get3A_451 : vector<256x1xf32> to vector<256x1024xf32>
    %add3A_453 = arith.addf %add3A_448, %add3A_452 : vector<256x1024xf32>
    %max3A_454 = arith.constant 0.000000e+00 : f32
    %max3A_455 = vector.broadcast %max3A_454 : f32 to vector<256x1024xf32>
    %max3A_456 = arith.maximumf %add3A_453, %max3A_455 : vector<256x1024xf32>
    %add3A_457 = arith.addf %dot_general3A_328, %dot_general3A_388 : vector<256x1024xf32>
    %get3A_458 = arith.constant 1536 : index
    %get3A_459 = arith.constant 0 : index
    %get3A_460 = vector.load %arg5[%get3A_458, %get3A_459] : memref<1928x1xf32, #tpu.memory_space<vmem>>, vector<256x1xf32>
    %add3A_461 = vector.broadcast %get3A_460 : vector<256x1xf32> to vector<256x1024xf32>
    %add3A_462 = arith.addf %add3A_457, %add3A_461 : vector<256x1024xf32>
    %max3A_463 = arith.constant 0.000000e+00 : f32
    %max3A_464 = vector.broadcast %max3A_463 : f32 to vector<256x1024xf32>
    %max3A_465 = arith.maximumf %add3A_462, %max3A_464 : vector<256x1024xf32>
    %slice3A_466 = vector.extract_strided_slice %dot_general3A_278 {offsets = [0, 1], sizes = [256, 1023], strides = [1, 1]} : vector<256x1024xf32> to vector<256x1023xf32>
    %broadcast_in_dim3A_467 = arith.constant 0.000000e+00 : f32
    %broadcast_in_dim3A_468 = vector.broadcast %broadcast_in_dim3A_467 : f32 to vector<256x1xf32>
    %concatenate3A_469 = tpu.concatenate %slice3A_466, %broadcast_in_dim3A_468 in 1 : vector<256x1023xf32>, vector<256x1xf32> -> vector<256x1024xf32>
    %add3A_470 = arith.addf %dot_general3A_378, %concatenate3A_469 : vector<256x1024xf32>
    %get3A_471 = arith.constant 1536 : index
    %get3A_472 = arith.constant 0 : index
    %get3A_473 = vector.load %arg5[%get3A_471, %get3A_472] : memref<1928x1xf32, #tpu.memory_space<vmem>>, vector<256x1xf32>
    %add3A_474 = vector.broadcast %get3A_473 : vector<256x1xf32> to vector<256x1024xf32>
    %add3A_475 = arith.addf %add3A_470, %add3A_474 : vector<256x1024xf32>
    %max3A_476 = arith.constant 0.000000e+00 : f32
    %max3A_477 = vector.broadcast %max3A_476 : f32 to vector<256x1024xf32>
    %max3A_478 = arith.maximumf %add3A_475, %max3A_477 : vector<256x1024xf32>
    %concatenate3A_479 = tpu.concatenate %max3A_411, %max3A_420, %max3A_429, %max3A_438, %max3A_447, %max3A_456, %max3A_465, %max3A_478 in 1 : vector<256x1024xf32>, vector<256x1024xf32>, vector<256x1024xf32>, vector<256x1024xf32>, vector<256x1024xf32>, vector<256x1024xf32>, vector<256x1024xf32>, vector<256x1024xf32> -> vector<256x8192xf32>
    %get3A_480 = arith.constant 0 : index
    %get3A_481 = arith.constant 0 : index
    %get3A_482 = vector.load %arg4[%get3A_480, %get3A_481] : memref<256x3xf32, #tpu.memory_space<vmem>>, vector<256x3xf32>
    %convert_element_type3A_483 = arith.truncf %get3A_482 : vector<256x3xf32> to vector<256x3xbf16>
    %convert_element_type3A_484 = arith.truncf %concatenate3A_479 : vector<256x8192xf32> to vector<256x8192xbf16>
    %dot_general3A_485 = arith.constant dense<0.000000e+00> : vector<3x8192xf32>
    %dot_general3A_486 = tpu.matmul %convert_element_type3A_483, %convert_element_type3A_484, %dot_general3A_485 {dimension_numbers = #tpu.dot_dimension_numbers<[0], [0], [1], [1], [0, 1, 1, 1], [], []>, transpose_lhs_hint = false} : vector<256x3xbf16>, vector<256x8192xbf16>, vector<3x8192xf32> -> vector<3x8192xf32>
    %slice3A_487 = vector.extract_strided_slice %dot_general3A_486 {offsets = [0, 0], sizes = [1, 1024], strides = [1, 1]} : vector<3x8192xf32> to vector<1x1024xf32>
    %slice3A_488 = vector.extract_strided_slice %dot_general3A_486 {offsets = [0, 1024], sizes = [1, 1024], strides = [1, 1]} : vector<3x8192xf32> to vector<1x1024xf32>
    %slice3A_489 = vector.extract_strided_slice %dot_general3A_486 {offsets = [0, 2048], sizes = [1, 1024], strides = [1, 1]} : vector<3x8192xf32> to vector<1x1024xf32>
    %slice3A_490 = vector.extract_strided_slice %dot_general3A_486 {offsets = [0, 3072], sizes = [1, 1024], strides = [1, 1]} : vector<3x8192xf32> to vector<1x1024xf32>
    %slice3A_491 = vector.extract_strided_slice %dot_general3A_486 {offsets = [0, 4096], sizes = [1, 1024], strides = [1, 1]} : vector<3x8192xf32> to vector<1x1024xf32>
    %slice3A_492 = vector.extract_strided_slice %dot_general3A_486 {offsets = [0, 5120], sizes = [1, 1024], strides = [1, 1]} : vector<3x8192xf32> to vector<1x1024xf32>
    %slice3A_493 = vector.extract_strided_slice %dot_general3A_486 {offsets = [0, 6144], sizes = [1, 1024], strides = [1, 1]} : vector<3x8192xf32> to vector<1x1024xf32>
    %slice3A_494 = vector.extract_strided_slice %dot_general3A_486 {offsets = [0, 7168], sizes = [1, 1024], strides = [1, 1]} : vector<3x8192xf32> to vector<1x1024xf32>
    %slice3A_495 = vector.extract_strided_slice %dot_general3A_486 {offsets = [1, 0], sizes = [1, 1024], strides = [1, 1]} : vector<3x8192xf32> to vector<1x1024xf32>
    %slice3A_496 = vector.extract_strided_slice %dot_general3A_486 {offsets = [1, 1024], sizes = [1, 1024], strides = [1, 1]} : vector<3x8192xf32> to vector<1x1024xf32>
    %slice3A_497 = vector.extract_strided_slice %dot_general3A_486 {offsets = [1, 2048], sizes = [1, 1024], strides = [1, 1]} : vector<3x8192xf32> to vector<1x1024xf32>
    %slice3A_498 = vector.extract_strided_slice %dot_general3A_486 {offsets = [1, 3072], sizes = [1, 1024], strides = [1, 1]} : vector<3x8192xf32> to vector<1x1024xf32>
    %slice3A_499 = vector.extract_strided_slice %dot_general3A_486 {offsets = [1, 4096], sizes = [1, 1024], strides = [1, 1]} : vector<3x8192xf32> to vector<1x1024xf32>
    %slice3A_500 = vector.extract_strided_slice %dot_general3A_486 {offsets = [1, 5120], sizes = [1, 1024], strides = [1, 1]} : vector<3x8192xf32> to vector<1x1024xf32>
    %slice3A_501 = vector.extract_strided_slice %dot_general3A_486 {offsets = [1, 6144], sizes = [1, 1024], strides = [1, 1]} : vector<3x8192xf32> to vector<1x1024xf32>
    %slice3A_502 = vector.extract_strided_slice %dot_general3A_486 {offsets = [1, 7168], sizes = [1, 1024], strides = [1, 1]} : vector<3x8192xf32> to vector<1x1024xf32>
    %slice3A_503 = vector.extract_strided_slice %dot_general3A_486 {offsets = [2, 0], sizes = [1, 1024], strides = [1, 1]} : vector<3x8192xf32> to vector<1x1024xf32>
    %slice3A_504 = vector.extract_strided_slice %dot_general3A_486 {offsets = [2, 1024], sizes = [1, 1024], strides = [1, 1]} : vector<3x8192xf32> to vector<1x1024xf32>
    %slice3A_505 = vector.extract_strided_slice %dot_general3A_486 {offsets = [2, 2048], sizes = [1, 1024], strides = [1, 1]} : vector<3x8192xf32> to vector<1x1024xf32>
    %slice3A_506 = vector.extract_strided_slice %dot_general3A_486 {offsets = [2, 3072], sizes = [1, 1024], strides = [1, 1]} : vector<3x8192xf32> to vector<1x1024xf32>
    %slice3A_507 = vector.extract_strided_slice %dot_general3A_486 {offsets = [2, 4096], sizes = [1, 1024], strides = [1, 1]} : vector<3x8192xf32> to vector<1x1024xf32>
    %slice3A_508 = vector.extract_strided_slice %dot_general3A_486 {offsets = [2, 5120], sizes = [1, 1024], strides = [1, 1]} : vector<3x8192xf32> to vector<1x1024xf32>
    %slice3A_509 = vector.extract_strided_slice %dot_general3A_486 {offsets = [2, 6144], sizes = [1, 1024], strides = [1, 1]} : vector<3x8192xf32> to vector<1x1024xf32>
    %slice3A_510 = vector.extract_strided_slice %dot_general3A_486 {offsets = [2, 7168], sizes = [1, 1024], strides = [1, 1]} : vector<3x8192xf32> to vector<1x1024xf32>
    %broadcast_in_dim3A_511 = arith.constant 0.000000e+00 : f32
    %broadcast_in_dim3A_512 = vector.broadcast %broadcast_in_dim3A_511 : f32 to vector<1x1xf32>
    %slice3A_513 = vector.extract_strided_slice %slice3A_494 {offsets = [0, 0], sizes = [1, 1023], strides = [1, 1]} : vector<1x1024xf32> to vector<1x1023xf32>
    %concatenate3A_514 = tpu.concatenate %broadcast_in_dim3A_512, %slice3A_513 in 1 : vector<1x1xf32>, vector<1x1023xf32> -> vector<1x1024xf32>
    %add3A_515 = arith.addf %concatenate3A_514, %slice3A_495 : vector<1x1024xf32>
    %add3A_516 = arith.addf %add3A_515, %slice3A_504 : vector<1x1024xf32>
    %add3A_517 = arith.addf %slice3A_487, %slice3A_496 : vector<1x1024xf32>
    %add3A_518 = arith.addf %add3A_517, %slice3A_505 : vector<1x1024xf32>
    %add3A_519 = arith.addf %slice3A_488, %slice3A_497 : vector<1x1024xf32>
    %add3A_520 = arith.addf %add3A_519, %slice3A_506 : vector<1x1024xf32>
    %add3A_521 = arith.addf %slice3A_489, %slice3A_498 : vector<1x1024xf32>
    %add3A_522 = arith.addf %add3A_521, %slice3A_507 : vector<1x1024xf32>
    %add3A_523 = arith.addf %slice3A_490, %slice3A_499 : vector<1x1024xf32>
    %add3A_524 = arith.addf %add3A_523, %slice3A_508 : vector<1x1024xf32>
    %add3A_525 = arith.addf %slice3A_491, %slice3A_500 : vector<1x1024xf32>
    %add3A_526 = arith.addf %add3A_525, %slice3A_509 : vector<1x1024xf32>
    %add3A_527 = arith.addf %slice3A_492, %slice3A_501 : vector<1x1024xf32>
    %add3A_528 = arith.addf %add3A_527, %slice3A_510 : vector<1x1024xf32>
    %slice3A_529 = vector.extract_strided_slice %slice3A_503 {offsets = [0, 1], sizes = [1, 1023], strides = [1, 1]} : vector<1x1024xf32> to vector<1x1023xf32>
    %broadcast_in_dim3A_530 = arith.constant 0.000000e+00 : f32
    %broadcast_in_dim3A_531 = vector.broadcast %broadcast_in_dim3A_530 : f32 to vector<1x1xf32>
    %concatenate3A_532 = tpu.concatenate %slice3A_529, %broadcast_in_dim3A_531 in 1 : vector<1x1023xf32>, vector<1x1xf32> -> vector<1x1024xf32>
    %add3A_533 = arith.addf %slice3A_493, %slice3A_502 : vector<1x1024xf32>
    %add3A_534 = arith.addf %add3A_533, %concatenate3A_532 : vector<1x1024xf32>
    %concatenate3A_535 = tpu.concatenate %add3A_516, %add3A_518, %add3A_520, %add3A_522, %add3A_524, %add3A_526, %add3A_528, %add3A_534 in 0 : vector<1x1024xf32>, vector<1x1024xf32>, vector<1x1024xf32>, vector<1x1024xf32>, vector<1x1024xf32>, vector<1x1024xf32>, vector<1x1024xf32>, vector<1x1024xf32> -> vector<8x1024xf32>
    %add3A_536 = vector.broadcast %slice3A : vector<1x1xf32> to vector<8x1024xf32>
    %add3A_537 = arith.addf %concatenate3A_535, %add3A_536 : vector<8x1024xf32>
    %swap3A_538 = arith.constant 0 : index
    %swap3A_539 = arith.constant 0 : index
    %swap3A_540 = arith.constant 0 : index
    %swap3A_541 = vector.load %arg6[%swap3A_538, %swap3A_539, %swap3A_540] : memref<1x8x1024xf32, #tpu.memory_space<vmem>>, vector<1x8x1024xf32>
    %swap3A_542 = vector.shape_cast %swap3A_541 : vector<1x8x1024xf32> to vector<8x1024xf32>
    %swap3A_543 = vector.shape_cast %add3A_537 : vector<8x1024xf32> to vector<1x8x1024xf32>
    tpu.vector_store %arg6[%swap3A_538, %swap3A_539, %swap3A_540], %swap3A_543 {strides = array<i32>} : memref<1x8x1024xf32, #tpu.memory_space<vmem>>, vector<1x8x1024xf32>,
    return
  }
  func.func @transform_0(%arg0: i32) -> (i32, i32) {
    %c0_i32 = arith.constant 0 : i32
    %c0_i32_0 = arith.constant 0 : i32
    return %arg0, %c0_i32 : i32, i32
  }
  func.func @transform_1(%arg0: i32) -> (i32, i32, i32, i32) {
    %c0_i32 = arith.constant 0 : i32
    %c0_i32_0 = arith.constant 0 : i32
    %c0_i32_1 = arith.constant 0 : i32
    %c0_i32_2 = arith.constant 0 : i32
    %c0_i32_3 = arith.constant 0 : i32
    return %c0_i32, %c0_i32_0, %c0_i32_1, %c0_i32_2 : i32, i32, i32, i32
  }
  func.func @transform_2(%arg0: i32) -> (i32, i32, i32) {
    %c0_i32 = arith.constant 0 : i32
    %c0_i32_0 = arith.constant 0 : i32
    %c0_i32_1 = arith.constant 0 : i32
    %c0_i32_2 = arith.constant 0 : i32
    return %c0_i32, %c0_i32_0, %c0_i32_1 : i32, i32, i32
  }
  func.func @transform_3(%arg0: i32) -> (i32, i32) {
    %c0_i32 = arith.constant 0 : i32
    %c0_i32_0 = arith.constant 0 : i32
    %c0_i32_1 = arith.constant 0 : i32
    return %c0_i32, %c0_i32_0 : i32, i32
  }
  func.func @transform_4(%arg0: i32) -> (i32, i32) {
    %c0_i32 = arith.constant 0 : i32
    %c0_i32_0 = arith.constant 0 : i32
    %c0_i32_1 = arith.constant 0 : i32
    return %c0_i32, %c0_i32_0 : i32, i32
  }
  func.func @transform_5(%arg0: i32) -> (i32, i32, i32) {
    %c0_i32 = arith.constant 0 : i32
    %c0_i32_0 = arith.constant 0 : i32
    %c0_i32_1 = arith.constant 0 : i32
    return %arg0, %c0_i32, %c0_i32_0 : i32, i32, i32
  }
  func.func @transform_6(%arg0: i32) -> (i32, i32, i32) {
    %c0_i32 = arith.constant 0 : i32
    %c0_i32_0 = arith.constant 0 : i32
    %c0_i32_1 = arith.constant 0 : i32
    return %arg0, %c0_i32, %c0_i32_0 : i32, i32, i32
  }
}

</mosaic_0001>

<sc_bundles>
// kernel: kernel.5.cloned.1.call-start
scs
__scs_entry_jumppad:
0x0: {  	(pc) =	sbr.rel $0x88, $3  }
0x1: {  	(tag) =	ssettag $0x0;
	lr =	simm.s32 $0x1  }
0x2: {  	[smem:$0x3F8D] =	sst lr;
	_ =	strace $0xD0000000  }
0x3: {  	_ = 	snop  }
0x4: {  	_ = 	snop  }
0x5: {  	_ = 	snop  }
0x6: {  	_ = 	snop  }
0x7: {  	_ = 	snop  }
__scs_overlays_trampoline_lowered:
0x8: {  	[smem:$0x3F9C] =	sst s0  }
0x9: {  	[smem:$0x3F9D] =	sst s1  }
0xa: {  	[smem:$0x3F9E] =	sst s2  }
0xb: {  	[smem:$0x3F9F] =	sst s3  }
0xc: {  	[smem:$0x3FA0] =	sst s4  }
0xd: {  	[smem:$0x3FA1] =	sst s5  }
0xe: {  	[smem:$0x3FA2] =	sst s6  }
0xf: {  	[smem:$0x3FA3] =	sst s7  }
0x10: {  	[smem:$0x3FA4] =	sst s8  }
0x11: {  	[smem:$0x3FA5] =	sst s9;
	s0 =	simm.s32 @!p0 $0x0  }
0x12: {  	s1 =	sld [smem:$0x3F8B];
	s0 =	simm.s32 @p0 $0x1  }
0x13: {  	[smem:$0x3FA6] =	sst s0;
	s0 =	simm.s32 @!p1 $0x0  }
0x14: {  	s2 =	sld [smem:$0x3F8A];
	s0 =	simm.s32 @p1 $0x1  }
0x15: {  	[smem:$0x3FA7] =	sst s0;
	s0 =	simm.s32 @!p2 $0x0  }
0x16: {  	s3 =	sld [smem:$0x3FDB];
	s0 =	simm.s32 @p2 $0x1  }
0x17: {  	s4 =	simm.s32 $0x1BF5;
	[smem:$0x3FA9] =	sst s0  }
0x18: {  	s0 =	sld [smem:$0x3F8C];
	_ =	swait.ge [sflag:s4], $0x0  }
0x19: {  	s7 =	sld [smem:$0x3F8D]  }
0x1a: {  	s8 =	sadd.s32 $0xFFFFE003, lr  }
0x1b: {  	s9 =	sadd.s32 $0xFFFFFEF7, lr;
	s5 =	simm.s32 $0xFFFFFFFF;
	p2 =	slt.u32 s8, $0xFFFFF086  }
0x1c: {  	p1 =	slt.u32 s9, $0xF7A;
	s5 =	simm.s32 @!p2 $0x0  }
0x1d: {  	s5 =	simm.s32 @p1 $0x1;
	p0 =	seq.s32 s7, s2  }
0x1e: {  	s7 =	smul.u32 @!p0 $0xF7A, s2;
	p2 =	seq.s32 @!p0 s5, $0x0  }
0x1f: {  	s9 =	smul.u32 $0xF7A, s1;
	s8 =	simm.s32 @!p0 $0x1BF5;
	p2 =	por !p2, p0  }
0x20: {  	[sflag:s8] =	ssyncset.s32 @!p0 $0xFFFFF086;
	s6 =	sadd.s32 @!p0 s3, s7;
	s7 =	simm.s32 @!p0 $0x108  }
0x21: {  	s3 =	sadd.s32 s3, s9;
	s6 =	sadd.s32 @!p0 $0x88, s6;
	s7 =	simm.s32 @p2 $0x1082  }
0x22: {  	[simem:s7], [sflag:s8] =	dma.local @!p0 [hbm:s6], $0xF7A  }
0x23: {  	s9 =	sor.u32 $0xD0000000, s2;
	s6 =	simm.s32 $0x108;
	_ =	swait.ge @!p0 [sflag:s8], $0x0  }
0x24: {  	s3 =	sadd.s32 $0x88, s3;
	s6 =	simm.s32 @!p1 $0x1082;
	[sflag:s4] =	ssyncset.s32 $0xFFFFF086  }
0x25: {  	[simem:s6], [sflag:s4] =	dma.local [hbm:s3], $0xF7A  }
0x26: {  	[smem:$0x3F8D] =	sst s1;
	(tag) =	ssettag s2;
	_ =	strace s9  }
0x27: {  	s1 =	sld [smem:$0x3F9D]  }
0x28: {  	s2 =	sld [smem:$0x3F9E]  }
0x29: {  	s4 =	sld [smem:$0x3FA0]  }
0x2a: {  	p0 =	seq.s32 s5, $0x0;
	s5 =	sld [smem:$0x3FA1]  }
0x2b: {  	s6 =	sld [smem:$0x3FA2]  }
0x2c: {  	s7 =	sld [smem:$0x3FA3]  }
0x2d: {  	s3 =	simm.s32 $0x108;
	s8 =	sld [smem:$0x3FA4]  }
0x2e: {  	s3 =	simm.s32 @!p0 $0x1082;
	s9 =	sld [smem:$0x3FA5]  }
0x2f: {  	lr =	sadd.s32 s0, s3;
	s0 =	sld [smem:$0x3F9C]  }
0x30: {  	s3 =	sld [smem:$0x3F9F]  }
0x31: {  	[smem:$0x3FA8] =	sst s10  }
0x32: {  	s10 =	sld [smem:$0x3FA6];
	_ =	sdelay $0x3  }
0x33: {  	p0 =	seq.s32 s10, $0x1;
	s10 =	sld [smem:$0x3FA8];
	_ =	sdelay $0x3  }
0x34: {  	[smem:$0x3FA8] =	sst s10  }
0x35: {  	s10 =	sld [smem:$0x3FA7];
	_ =	sdelay $0x3  }
0x36: {  	p1 =	seq.s32 s10, $0x1;
	s10 =	sld [smem:$0x3FA8];
	_ =	sdelay $0x3  }
0x37: {  	[smem:$0x3FA8] =	sst s10  }
0x38: {  	s10 =	sld [smem:$0x3FA9]  }
0x39: {  	_ = 	snop;
	(pc) =	sbr.ind lr, $3  }
0x3a: {  	_ = 	snop  }
0x3b: {  	_ = 	snop  }
0x3c: {  	p2 =	seq.s32 s10, $0x1;
	s10 =	sld [smem:$0x3FA8]  }
0x3d: {  	_ =	shalt  }
0x3e: {  	_ =	shalt  }
0x3f: {  	_ =	shalt  }
0x40: {  	_ =	shalt  }
0x41: {  	_ =	shalt  }
0x42: {  	_ =	shalt  }
0x43: {  	_ =	shalt  }
0x44: {  	_ =	shalt  }
0x45: {  	_ =	shalt  }
0x46: {  	_ =	shalt  }
0x47: {  	_ =	shalt  }
0x48: {  	_ =	shalt  }
0x49: {  	_ =	shalt  }
0x4a: {  	_ =	shalt  }
0x4b: {  	_ =	shalt  }
0x4c: {  	_ =	shalt  }
0x4d: {  	_ =	shalt  }
0x4e: {  	_ =	shalt  }
0x4f: {  	_ =	shalt  }
0x50: {  	_ =	shalt  }
0x51: {  	_ =	shalt  }
0x52: {  	_ =	shalt  }
0x53: {  	_ =	shalt  }
0x54: {  	_ =	shalt  }
0x55: {  	_ =	shalt  }
0x56: {  	_ =	shalt  }
0x57: {  	_ =	shalt  }
0x58: {  	_ =	shalt  }
0x59: {  	_ =	shalt  }
0x5a: {  	_ =	shalt  }
0x5b: {  	_ =	shalt  }
0x5c: {  	_ =	shalt  }
0x5d: {  	_ =	shalt  }
0x5e: {  	_ =	shalt  }
0x5f: {  	_ =	shalt  }
0x60: {  	_ =	shalt  }
0x61: {  	_ =	shalt  }
0x62: {  	_ =	shalt  }
0x63: {  	_ =	shalt  }
0x64: {  	_ =	shalt  }
0x65: {  	_ =	shalt  }
0x66: {  	_ =	shalt  }
0x67: {  	_ =	shalt  }
0x68: {  	_ =	shalt  }
0x69: {  	_ =	shalt  }
0x6a: {  	_ =	shalt  }
0x6b: {  	_ =	shalt  }
0x6c: {  	_ =	shalt  }
0x6d: {  	_ =	shalt  }
0x6e: {  	_ =	shalt  }
0x6f: {  	_ =	shalt  }
0x70: {  	_ =	shalt  }
0x71: {  	_ =	shalt  }
0x72: {  	_ =	shalt  }
0x73: {  	_ =	shalt  }
0x74: {  	_ =	shalt  }
0x75: {  	_ =	shalt  }
0x76: {  	_ =	shalt  }
0x77: {  	_ =	shalt  }
0x78: {  	_ =	shalt  }
0x79: {  	_ =	shalt  }
0x7a: {  	_ =	shalt  }
0x7b: {  	_ =	shalt  }
0x7c: {  	_ =	shalt  }
0x7d: {  	_ =	shalt  }
0x7e: {  	_ =	shalt  }
0x7f: {  	_ =	shalt  }
0x80: {  	_ =	shalt  }
0x81: {  	_ =	shalt  }
0x82: {  	_ =	shalt  }
0x83: {  	_ =	shalt  }
0x84: {  	_ =	shalt  }
0x85: {  	_ =	shalt  }
0x86: {  	_ =	shalt  }
0x87: {  	_ =	shalt  }
.Lfunc_end0:
.L_simem_size_0:
called_computation_lowered:
.L_overlay_start_0:
0x88: {  	s2 =	sld [smem:$0x3FD9]  }
0x89: {  	s3 =	sld [smem:$0x3FFE];
	_ =	sdelay $0x1  }
0x8a: {  	s1 =	srdreg.scid  }
0x8b: {  	s0 =	sand.u32 $0x1, s1  }
0x8c: {  	s14 =	sshll.u32 s0, $0xA;
	s2 =	sadd.s32 s3, s2  }
0x8d: {  	s2 =	sadd.s32 s2, s14  }
0x8e: {  	[smem:$0x3FB4] =	sst s2  }
0x8f: {  	_ = 	snop  }
0x90: {  	s2 =	sld [smem:$0x3FD0];
	_ =	sdelay $0x2  }
0x91: {  	s15 =	simm.s32 $0xA;
	s4 =	simm.s32 $0x10  }
0x92: {  	[smem:s4], [sflag:s15] =	dma.local [hbm:s2], $0x1  }
0x93: {  	_ =	swait.eq [sflag:s15], $0x1  }
0x94: {  	[sflag:s15] =	ssyncset.done $0x0  }
0x95: {  	s16 =	sld [smem:$0x10];
	[sflag:s15] =	ssyncadd.s32 $0xFFFFFFFF  }
0x96: {  	s17 =	sld [smem:$0x12];
	(tm) =	ssettm $0x1  }
0x97: {  	s18 =	sld [smem:$0x3FFB];
	_ =	sdelay $0x3  }
0x98: {  	_ =	strace s18  }
0x99: {  	s4 =	sld [smem:$0x3FFC];
	_ =	sdelay $0x3  }
0x9a: {  	_ =	strace s4  }
0x9b: {  	s4 =	sld [smem:$0x3FFD];
	_ =	sdelay $0x3  }
0x9c: {  	_ =	strace s4  }
0x9d: {  	_ =	strace $0x8FFFFFFF  }
0x9e: {  	s19 =	sld [smem:$0x3FDB];
	_ =	sdelay $0x1  }
0x9f: {  	s5 =	simm.s32 $_scs_section_size  }
0xa0: {  	s6 =	simm.s32 $_size__tile_overlayer_lowered;
	s7 =	simm.s32 $_tile_overlayer_lowered  }
0xa1: {  	s22 =	simm.s32 $0x1BFF;
	s21 =	sshll.u32 s7, $0x1;
	s4 =	sadd.s32 s5, s19  }
0xa2: {  	s8 =	simm.s32 $0x0;
	s20 =	sshll.u32 s6, $0x1;
	s6 =	sadd.s32 s21, s4  }
0xa3: {  	[timem:s8], [sflag:s22] =	dma.local [hbm:s6], s20  }
0xa4: {  	_ =	swait.ge [sflag:s22], s20  }
0xa5: {  	s5 =	ssub.s32 $0x0, s20;
	[sflag:s22] =	ssyncset.done $0x0  }
0xa6: {  	[sflag:s22] =	ssyncadd.s32 s5;
	_ =	sdelay $0x1  }
0xa7: {  	s23 =	simm.s32 $0x1B8B  }
0xa8: {  	_ =	swait.ge [sflag:s23], $0x1  }
0xa9: {  	[sflag:s23] =	ssyncset.done $0x0  }
0xaa: {  	s25 =	simm.s32 $0x1B8E;
	s24 =	sld [smem:$0x3FFE];
	[sflag:s23] =	ssyncadd.s32 $0xFFFFFFFF  }
0xab: {  	s26 =	simm.s32 $execute0_lowered;
	[smem:$0x3FD2] =	sst s25  }
0xac: {  	s6 =	sshll.u32 s26, $0x1;
	_ =	strace $0x80000046;
	[dreg:$0x1] =	wrdreg $0xFFFFFFFF  }
0xad: {  	s28 =	simm.s32 $_size_execute0_lowered;
	s4 =	sadd.s32 s4, s6;
	[dreg:$0x0] =	wrdreg $0x0  }
0xae: {  	s6 =	sshll.u32 s28, $0x1;
	[dreg:$0x2] =	wrdreg s4  }
0xaf: {  	[dreg:$0x3] =	wrdreg s6  }
0xb0: {  	[dreg:$0x4] =	wrdreg $0xC0  }
0xb1: {  	_ =	task [dreg:s8], $0x5FFFF  }
0xb2: {  	[dreg:$0x1] =	wrdreg $0xFFFFFFFF  }
0xb3: {  	[dreg:$0x0] =	wrdreg $0x60  }
0xb4: {  	[dreg:$0x2] =	wrdreg s24  }
0xb5: {  	[dreg:$0x3] =	wrdreg s16  }
0xb6: {  	[dreg:$0x4] =	wrdreg s17  }
0xb7: {  	[dreg:$0x5] =	wrdreg $0x9  }
0xb8: {  	_ =	task.clear_ibuf [dreg:s8], $0x6FFFF;
	_ =	strace $0x90000046  }
0xb9: {  	s29 =	simm.s32 $0x9;
	_ =	strace $0x80000048  }
0xba: {  	_ =	swait.ge [sflag:s29], $0x1  }
0xbb: {  	[sflag:s29] =	ssyncadd.s32 $0xFFFFFFFF  }
0xbc: {  	_ =	strace $0x90000048  }
0xbd: {  	_ =	sfence  }
0xbe: {  	s30 =	sld [smem:$0x0];
	_ =	sdelay $0x2  }
0xbf: {  	s31 =	sshll.u32 s1, $0xD;
	s1 =	sshrl.u32 s1, $0x2  }
0xc0: {  	s3 =	sand.u32 $0x4000, s31;
	s1 =	sadd.s32 s1, s30  }
0xc1: {  	s0 =	sor.u32 s3, s0;
	s1 =	sshll.u32 s1, $0x11  }
0xc2: {  	s0 =	sor.u32 s1, s0  }
0xc3: {  	s0 =	sadd.s32 $0x8F2B, s0  }
0xc4: {  	[sflag:s0] =	ssyncadd.remote.s32 $0x1  }
0xc5: {  	_ =	sfence.sel $0xFFFF  }
0xc6: {  	[dreg:$0x0] =	wrdreg $0xFFFFFFFF;
	(pc) =	sbr.abs _section_cstart, $3  }
0xc7: {  	[dreg:$0x1] =	wrdreg $0xFFFFFFFF  }
0xc8: {  	_ =	task.clear_ibuf [dreg:s8], $0x2FFFF;
	_ =	strace $0x9FFFFFFF  }
0xc9: {  	(tm) =	ssettm $0x7FFFFFFF  }
tec
execute0_lowered:
.L_overlay_start_1:
0x0: {  	(tag) =	ssettag $0x1  }
0x1: {  	s5 =	rddreg [dreg:$0x0]  }
0x2: {  	s1 =	srdreg.scid;
	s3 =	rddreg [dreg:$0x1]  }
0x3: {  	s0 =	stileid.u32;
	s8 =	rddreg [dreg:$0x2];
	s6 =	sand.u32 $0x1, s1  }
0x4: {  	s2 =	simm.s32 $0x0;
	s4 =	sshll.u32 s0, $0x8;
	s7 =	sshll.u32 s6, $0x7  }
0x5: {  	[smem:$0x7FF] =	sst s2;
	s9 =	sor.u32 s7, s4  }
0x6: {  	s1 =	rddreg [dreg:$0x3];
	_ =	strace $0x80000047;
	s4 =	sshrl.u32 s9, $0x3  }
0x7: {  	s10 =	ssub.s32 $0x2, s6;
	s4 =	sadd.s32 s3, s4;
	s3 =	simm.s32 $0x2  }
0x8: {  	[tilespmem:s2], [sflag:$0x2] =	stream.linear.gather [hbm4b:s4+s2], $0x80, $0x38;
	[tilespmem:$0x4080] =	vst v63  }
0x9: {  	s5 =	sadd.s32 $0x1C00, s5;
	s11 =	sshrl.u32 s10, $0x1;
	_ =	swait.ge [sflag:s3], $0x80  }
0xa: {  	s6 =	simm.s32 $0x80;
	s10 =	ssub.s32 s10, s11;
	[sflag:s3] =	ssyncset.done $0x0  }
0xb: {  	s7 =	simm.s32 $0x1;
	s31 =	smax.u32 s10, $0x1;
	[sflag:s3] =	ssyncadd.s32 $0xFFFFFF80  }
0xc: {  	[tilespmem:s6], [sflag:$0x1] =	stream.indirect.gather [hbm4b:s5+s6], $0x80, s2, s6, $0xb8;
	[tilespmem:$0x4080] =	vst v63  }
0xd: {  	p0 =	sne.s32 s31, $0x1;
	_ =	swait.ge [sflag:s7], $0x4000  }
.Ltmp0:
0xe: {  	s9 =	sshll.u32 s9, $0x4;
	[sflag:s7] =	ssyncset.done $0x0;
	(pc) =	sbr.rel @!p0 .LBB2_2-.Ltmp0, $4  }
0xf: {  	s8 =	sadd.s32 s8, s9;
	[sflag:s7] =	ssyncadd.s32 $0xFFFFC000  }
0x10: {  	[hbm4b:s8+s2] =	stream.linear.scatter [tilespmem:s6], [sflag:$0x2], $0x4000, $0x38;
	[tilespmem:$0x4080] =	vst v63  }
0x11: {  	_ =	swait.ge [sflag:s3], $0x4000  }
0x12: {  	s9 =	sadd.s32 $0xFFFFFFFF, s31;
	[sflag:s3] =	ssyncset.done $0x0  }
.LBB2_1:
0x13: {  	p0 =	sne.s32 s9, $0x1;
	s9 =	sadd.s32 $0xFFFFFFFF, s9;
	[sflag:s3] =	ssyncadd.s32 $0xFFFFC000  }
0x14: {  	[tilespmem:s2], [sflag:$0x2] =	stream.linear.gather [hbm4b:s4+s2], $0x80, $0x38;
	[tilespmem:$0x4080] =	vst v63  }
0x15: {  	_ =	swait.ge [sflag:s3], $0x80  }
0x16: {  	[sflag:s3] =	ssyncset.done $0x0  }
0x17: {  	[sflag:s3] =	ssyncadd.s32 $0xFFFFFF80  }
0x18: {  	[tilespmem:s6], [sflag:$0x1] =	stream.indirect.gather [hbm4b:s5+s6], $0x80, s2, s6, $0xb8;
	[tilespmem:$0x4080] =	vst v63  }
0x19: {  	_ =	swait.ge [sflag:s7], $0x4000  }
.Ltmp1:
0x1a: {  	[sflag:s7] =	ssyncset.done $0x0;
	(pc) =	sbr.rel @p0 .LBB2_1-.Ltmp1, $4  }
0x1b: {  	[sflag:s7] =	ssyncadd.s32 $0xFFFFC000  }
0x1c: {  	[hbm4b:s8+s2] =	stream.linear.scatter [tilespmem:s6], [sflag:$0x2], $0x4000, $0x38;
	[tilespmem:$0x4080] =	vst v63  }
0x1d: {  	_ =	swait.ge [sflag:s3], $0x4000  }
0x1e: {  	[sflag:s3] =	ssyncset.done $0x0  }
.LBB2_2:
0x1f: {  	[sflag:s3] =	ssyncadd.s32 $0xFFFFC000  }
0x20: {  	_ =	sfence.sel $0x180000  }
0x21: {  	[bflag:$0x0] =	sbarrier.arrive $0xFFFF  }
0x22: {  	p0 =	sne.s32 s0, $0x0;
	_ =	strace $0x90000047  }
0x23: {  	s0 =	sadd.s32 @!p0 $0x100000, s1;
	[bflag:$0x2] =	sbarrier.arrive $0xFFFF  }
0x24: {  	[sflag:s0] =	ssyncadd.tile.s32 @!p0 $0x1;
	_ =	shalt  }
.Lfunc_end2:
_tile_overlayer_lowered:
.L_overlay_start_2:
0x25: {  	(tag) =	ssettag $0x2  }
0x26: {  	s0 =	rddreg [dreg:$0x0];
	s2 =	stileid.u32  }
0x27: {  	s1 =	rddreg [dreg:$0x1];
	p0 =	sne.s32 s2, $0x0  }
0x28: {  	s3 =	rddreg [dreg:$0x2];
	[bflag:$0x3] =	sbarrier.arrive $0xFFFF;
	s2 =	simm.s32 @!p0 $0x1C02  }
0x29: {  	[timem:s3], [sflag:s2] =	dma.local @!p0 [hbm:s0], s1  }
0x2a: {  	s0 =	simm.s32 @!p0 $0x2  }
0x2b: {  	_ =	swait.ge @!p0 [sflag:s0], s1  }
0x2c: {  	s1 =	ssub.s32 @!p0 $0x0, s1;
	[sflag:s0] =	ssyncset.done @!p0 $0x0  }
0x2d: {  	[sflag:s0] =	ssyncadd.s32 @!p0 s1  }
0x2e: {  	[bflag:$0x3] =	sbarrier.arrive $0xFFFF  }
0x2f: {  	_ =	shalt  }

</sc_bundles>
